<compile_context>
chip_gen: v7x
topology: tpu7x:2x2x1
jax: 0.10.2.dev20260603
libtpu: 0.0.44.dev20260713+nightly
codegen_flags: <defaults>
</compile_context>

<pallas_src>
import functools

import jax
import jax.numpy as jnp
from jax import lax
from jax.experimental import pallas as pl
from jax.experimental.pallas import tpu as pltpu
from jax.experimental.pallas import tpu_sc as plsc

NC = 2
NS = 16
NW = NC * NS
G = 16


def kernel(task_idx, table):
    (B,) = task_idx.shape
    V, D = table.shape
    b_per_w = B // NW
    n_groups = b_per_w // G

    tableT = table.T
    mesh = plsc.VectorSubcoreMesh(core_axis_name="c", subcore_axis_name="s")

    @functools.partial(
        pl.kernel,
        mesh=mesh,
        out_type=jax.ShapeDtypeStruct((D, B), jnp.float32),
        scratch_types=[
            pltpu.VMEM((b_per_w,), jnp.int32),
            pltpu.VMEM((G, D, 128), jnp.float32),
            pltpu.VMEM((D, b_per_w), jnp.float32),
            pltpu.SemaphoreType.DMA,
        ],
        compiler_params=pltpu.CompilerParams(
            use_tc_tiling_on_sc=True, needs_layout_passes=False
        ),
    )
    def gather_kernel(idx_hbm, tableT_hbm, outT_hbm, idx_v, blk_v, cols_v, sem):
        wid = lax.axis_index("s") * NC + lax.axis_index("c")
        base = wid * b_per_w
        pltpu.sync_copy(idx_hbm.at[pl.ds(base, b_per_w)], idx_v)

        jot = lax.iota(jnp.int32, 16)

        @pl.loop(0, n_groups)
        def per_group(g):
            k0 = g * G
            ivec = idx_v[pl.ds(k0, 16)]
            copies = []
            for j in range(G):
                i = ivec[j]
                cc = pl.multiple_of((i >> 7) * 128, 128)
                copies.append(
                    pltpu.async_copy(
                        tableT_hbm.at[:, pl.ds(cc, 128)], blk_v.at[j], sem
                    )
                )
            for c in copies:
                c.wait()
            lanes = ivec & 127
            for d in range(D):
                dv = jnp.full((16,), d, jnp.int32)
                v = plsc.load_gather(blk_v, [jot, dv, lanes])
                cols_v[d, pl.ds(k0, 16)] = v

        pltpu.sync_copy(cols_v, outT_hbm.at[:, pl.ds(base, b_per_w)])

    outT = gather_kernel(task_idx, tableT)
    return outT.T

# --- scband reference (transcript-rebuilt; emitter-appended) ---
"""Pipeline reference for scband-language-encoder-28802050687776 (READ-ONLY COPY).

The authoritative reference and input builder live on the scoring server;
editing this copy changes nothing except your own understanding.
"""

import jax, jax.numpy as jnp
import numpy as np

NUM_TASKS = 1000000
LANGUAGE_DIM = 32
BATCH = 16384


def setup_inputs(seed: int = 0) -> dict:
    key = jax.random.key(seed)
    k_idx, k_tab = jax.random.split(key)
    task_idx = jax.random.randint(k_idx, (BATCH,), 0, NUM_TASKS, dtype=jnp.int64 if jax.config.read('jax_enable_x64') else jnp.int32)
    table = jax.random.normal(k_tab, (NUM_TASKS, LANGUAGE_DIM), dtype=jnp.float32)
    return {"task_idx": task_idx, "table": table}


def reference(task_idx, table):
    # nn.Embedding forward: row gather from the embedding table
    return jnp.take(table, task_idx, axis=0)

if __name__ == "__main__":
    import jax
    _d = setup_inputs()
    print(jax.jit(kernel)(*tuple(_d.values())))

</pallas_src>

<mosaic_0001>
#map = affine_map<(d0, d1) -> (0)>
#map1 = affine_map<(d0, d1) -> (0, 0)>
module attributes {stable_mosaic.version = 14 : i64} {
  func.func @gather_kernel(%arg0: i32, %arg1: i32, %arg2: memref<16384xi32, #tpu.memory_space<hbm>>, %arg3: memref<32x1000000xf32, #tpu.memory_space<hbm>>, %arg4: memref<32x16384xf32, #tpu.memory_space<hbm>>, %arg5: memref<512xi32, #tpu.memory_space<vmem>>, %arg6: memref<16x32x128xf32, #tpu.memory_space<vmem>>, %arg7: memref<32x512xf32, #tpu.memory_space<vmem>>, %arg8: memref<!tpu.dma_semaphore, #tpu.memory_space<semaphore_mem>>) attributes {dimension_semantics = [#tpu.dimension_semantics<core_parallel>, #tpu.dimension_semantics<subcore_parallel>], iteration_bounds = array<i64: 2, 16>, scalar_prefetch = 0 : i64, scratch_operands = 4 : i64, tpu.core_type = #tpu.core_type<sc_vector_subcore>, window_params = [{transform_indices = #map}, {transform_indices = #map1}, {transform_indices = #map1}]} {
    %mul3A = arith.constant 2 : i32
    %mul3A_0 = arith.muli %arg1, %mul3A : i32
    %add3A = arith.addi %mul3A_0, %arg0 : i32
    %mul3A_1 = arith.constant 512 : i32
    %mul3A_2 = arith.muli %add3A, %mul3A_1 : i32
    "tpu.region"() ({
      %run_scoped3A = tpu.sem_alloc : memref<!tpu.dma_semaphore, #tpu.memory_space<semaphore_mem>>
      %dma_start3A = tpu.memref_slice %arg2[%mul3A_2] : memref<16384xi32, #tpu.memory_space<hbm>> -> memref<512xi32, #tpu.memory_space<hbm>>
      %dma_start3A_7 = tpu.memref_slice %arg2[%mul3A_2] : memref<16384xi32, #tpu.memory_space<hbm>> -> memref<512xi32, #tpu.memory_space<hbm>>
      tpu.enqueue_dma source(%dma_start3A_7 : memref<512xi32, #tpu.memory_space<hbm>>) target(%arg5 : memref<512xi32, #tpu.memory_space<vmem>>) target_semaphore(%run_scoped3A : memref<!tpu.dma_semaphore, #tpu.memory_space<semaphore_mem>>)
      %dma_wait3A = tpu.memref_slice %arg2[%mul3A_2] : memref<16384xi32, #tpu.memory_space<hbm>> -> memref<512xi32, #tpu.memory_space<hbm>>
      %dma_wait3A_8 = tpu.memref_slice %arg2[%mul3A_2] : memref<16384xi32, #tpu.memory_space<hbm>> -> memref<512xi32, #tpu.memory_space<hbm>>
      tpu.wait_dma2 semaphore(%run_scoped3A : memref<!tpu.dma_semaphore, #tpu.memory_space<semaphore_mem>>) src(%dma_wait3A_8 : memref<512xi32, #tpu.memory_space<hbm>>) dst(%arg5 : memref<512xi32, #tpu.memory_space<vmem>>)
      tpu.yield
    }) : () -> ()
    %iota3A = tpu.iota {dimensions = array<i32: 0>} : vector<16xi32>
    %scan3A = arith.constant 0 : i32
    %scan3A_3 = arith.constant 32 : i32
    %scan3A_4 = arith.addi %scan3A, %scan3A_3 : i32
    %scan3A_5 = arith.constant 1 : i32
    scf.for %scan3A_7 = %scan3A to %scan3A_4 step %scan3A_5  : i32 {
      %mul3A_8 = arith.constant 1 : i32
      %mul3A_9 = arith.muli %scan3A_7, %mul3A_8 : i32
      %add3A_10 = arith.constant 0 : i32
      %add3A_11 = arith.addi %add3A_10, %mul3A_9 : i32
      %mul3A_12 = arith.constant 16 : i32
      %mul3A_13 = arith.muli %add3A_11, %mul3A_12 : i32
      %get3A = arith.index_cast %mul3A_13 : i32 to index
      %get3A_14 = tpu.vector_load %arg5[%get3A] {strides = array<i32>} : memref<512xi32, #tpu.memory_space<vmem>>, vector<16xi32>,
      %slice3A = vector.extract_strided_slice %get3A_14 {offsets = [0], sizes = [1], strides = [1]} : vector<16xi32> to vector<1xi32>
      %squeeze3A = vector.extract %slice3A[0] : i32 from vector<1xi32>
      %shift_right_arithmetic3A = arith.constant 7 : i32
      %shift_right_arithmetic3A_15 = arith.shrsi %squeeze3A, %shift_right_arithmetic3A : i32
      %mul3A_16 = arith.constant 128 : i32
      %mul3A_17 = arith.muli %shift_right_arithmetic3A_15, %mul3A_16 : i32
      %multiple_of3A = tpu.assume_multiple %mul3A_17, 128 : i32
      %dma_start3A = arith.constant 0 : i32
      %dma_start3A_18 = arith.constant 0 : i32
      %dma_start3A_19 = arith.constant 0 : i32
      %dma_start3A_20 = tpu.memref_slice %arg6[%dma_start3A, %dma_start3A_18, %dma_start3A_19] : memref<16x32x128xf32, #tpu.memory_space<vmem>> -> memref<1x32x128xf32, #tpu.memory_space<vmem>>
      %dma_start3A_21 = tpu.memref_squeeze %dma_start3A_20 : memref<1x32x128xf32, #tpu.memory_space<vmem>> -> memref<32x128xf32, #tpu.memory_space<vmem>>
      %dma_start3A_22 = arith.constant 0 : i32
      %dma_start3A_23 = tpu.memref_slice %arg3[%dma_start3A_22, %multiple_of3A] : memref<32x1000000xf32, #tpu.memory_space<hbm>> -> memref<32x128xf32, #tpu.memory_space<hbm>>
      %dma_start3A_24 = arith.constant 0 : i32
      %dma_start3A_25 = arith.constant 0 : i32
      %dma_start3A_26 = tpu.memref_slice %arg6[%dma_start3A, %dma_start3A_24, %dma_start3A_25] : memref<16x32x128xf32, #tpu.memory_space<vmem>> -> memref<1x32x128xf32, #tpu.memory_space<vmem>>
      %dma_start3A_27 = tpu.memref_squeeze %dma_start3A_26 : memref<1x32x128xf32, #tpu.memory_space<vmem>> -> memref<32x128xf32, #tpu.memory_space<vmem>>
      %dma_start3A_28 = arith.constant 0 : i32
      %dma_start3A_29 = tpu.memref_slice %arg3[%dma_start3A_28, %multiple_of3A] : memref<32x1000000xf32, #tpu.memory_space<hbm>> -> memref<32x128xf32, #tpu.memory_space<hbm>>
      tpu.enqueue_dma source(%dma_start3A_29 : memref<32x128xf32, #tpu.memory_space<hbm>>) target(%dma_start3A_27 : memref<32x128xf32, #tpu.memory_space<vmem>>) target_semaphore(%arg8 : memref<!tpu.dma_semaphore, #tpu.memory_space<semaphore_mem>>)
      %slice3A_30 = vector.extract_strided_slice %get3A_14 {offsets = [1], sizes = [1], strides = [1]} : vector<16xi32> to vector<1xi32>
      %squeeze3A_31 = vector.extract %slice3A_30[0] : i32 from vector<1xi32>
      %shift_right_arithmetic3A_32 = arith.constant 7 : i32
      %shift_right_arithmetic3A_33 = arith.shrsi %squeeze3A_31, %shift_right_arithmetic3A_32 : i32
      %mul3A_34 = arith.constant 128 : i32
      %mul3A_35 = arith.muli %shift_right_arithmetic3A_33, %mul3A_34 : i32
      %multiple_of3A_36 = tpu.assume_multiple %mul3A_35, 128 : i32
      %dma_start3A_37 = arith.constant 1 : i32
      %dma_start3A_38 = arith.constant 0 : i32
      %dma_start3A_39 = arith.constant 0 : i32
      %dma_start3A_40 = tpu.memref_slice %arg6[%dma_start3A_37, %dma_start3A_38, %dma_start3A_39] : memref<16x32x128xf32, #tpu.memory_space<vmem>> -> memref<1x32x128xf32, #tpu.memory_space<vmem>>
      %dma_start3A_41 = tpu.memref_squeeze %dma_start3A_40 : memref<1x32x128xf32, #tpu.memory_space<vmem>> -> memref<32x128xf32, #tpu.memory_space<vmem>>
      %dma_start3A_42 = arith.constant 0 : i32
      %dma_start3A_43 = tpu.memref_slice %arg3[%dma_start3A_42, %multiple_of3A_36] : memref<32x1000000xf32, #tpu.memory_space<hbm>> -> memref<32x128xf32, #tpu.memory_space<hbm>>
      %dma_start3A_44 = arith.constant 0 : i32
      %dma_start3A_45 = arith.constant 0 : i32
      %dma_start3A_46 = tpu.memref_slice %arg6[%dma_start3A_37, %dma_start3A_44, %dma_start3A_45] : memref<16x32x128xf32, #tpu.memory_space<vmem>> -> memref<1x32x128xf32, #tpu.memory_space<vmem>>
      %dma_start3A_47 = tpu.memref_squeeze %dma_start3A_46 : memref<1x32x128xf32, #tpu.memory_space<vmem>> -> memref<32x128xf32, #tpu.memory_space<vmem>>
      %dma_start3A_48 = arith.constant 0 : i32
      %dma_start3A_49 = tpu.memref_slice %arg3[%dma_start3A_48, %multiple_of3A_36] : memref<32x1000000xf32, #tpu.memory_space<hbm>> -> memref<32x128xf32, #tpu.memory_space<hbm>>
      tpu.enqueue_dma source(%dma_start3A_49 : memref<32x128xf32, #tpu.memory_space<hbm>>) target(%dma_start3A_47 : memref<32x128xf32, #tpu.memory_space<vmem>>) target_semaphore(%arg8 : memref<!tpu.dma_semaphore, #tpu.memory_space<semaphore_mem>>)
      %slice3A_50 = vector.extract_strided_slice %get3A_14 {offsets = [2], sizes = [1], strides = [1]} : vector<16xi32> to vector<1xi32>
      %squeeze3A_51 = vector.extract %slice3A_50[0] : i32 from vector<1xi32>
      %shift_right_arithmetic3A_52 = arith.constant 7 : i32
      %shift_right_arithmetic3A_53 = arith.shrsi %squeeze3A_51, %shift_right_arithmetic3A_52 : i32
      %mul3A_54 = arith.constant 128 : i32
      %mul3A_55 = arith.muli %shift_right_arithmetic3A_53, %mul3A_54 : i32
      %multiple_of3A_56 = tpu.assume_multiple %mul3A_55, 128 : i32
      %dma_start3A_57 = arith.constant 2 : i32
      %dma_start3A_58 = arith.constant 0 : i32
      %dma_start3A_59 = arith.constant 0 : i32
      %dma_start3A_60 = tpu.memref_slice %arg6[%dma_start3A_57, %dma_start3A_58, %dma_start3A_59] : memref<16x32x128xf32, #tpu.memory_space<vmem>> -> memref<1x32x128xf32, #tpu.memory_space<vmem>>
      %dma_start3A_61 = tpu.memref_squeeze %dma_start3A_60 : memref<1x32x128xf32, #tpu.memory_space<vmem>> -> memref<32x128xf32, #tpu.memory_space<vmem>>
      %dma_start3A_62 = arith.constant 0 : i32
      %dma_start3A_63 = tpu.memref_slice %arg3[%dma_start3A_62, %multiple_of3A_56] : memref<32x1000000xf32, #tpu.memory_space<hbm>> -> memref<32x128xf32, #tpu.memory_space<hbm>>
      %dma_start3A_64 = arith.constant 0 : i32
      %dma_start3A_65 = arith.constant 0 : i32
      %dma_start3A_66 = tpu.memref_slice %arg6[%dma_start3A_57, %dma_start3A_64, %dma_start3A_65] : memref<16x32x128xf32, #tpu.memory_space<vmem>> -> memref<1x32x128xf32, #tpu.memory_space<vmem>>
      %dma_start3A_67 = tpu.memref_squeeze %dma_start3A_66 : memref<1x32x128xf32, #tpu.memory_space<vmem>> -> memref<32x128xf32, #tpu.memory_space<vmem>>
      %dma_start3A_68 = arith.constant 0 : i32
      %dma_start3A_69 = tpu.memref_slice %arg3[%dma_start3A_68, %multiple_of3A_56] : memref<32x1000000xf32, #tpu.memory_space<hbm>> -> memref<32x128xf32, #tpu.memory_space<hbm>>
      tpu.enqueue_dma source(%dma_start3A_69 : memref<32x128xf32, #tpu.memory_space<hbm>>) target(%dma_start3A_67 : memref<32x128xf32, #tpu.memory_space<vmem>>) target_semaphore(%arg8 : memref<!tpu.dma_semaphore, #tpu.memory_space<semaphore_mem>>)
      %slice3A_70 = vector.extract_strided_slice %get3A_14 {offsets = [3], sizes = [1], strides = [1]} : vector<16xi32> to vector<1xi32>
      %squeeze3A_71 = vector.extract %slice3A_70[0] : i32 from vector<1xi32>
      %shift_right_arithmetic3A_72 = arith.constant 7 : i32
      %shift_right_arithmetic3A_73 = arith.shrsi %squeeze3A_71, %shift_right_arithmetic3A_72 : i32
      %mul3A_74 = arith.constant 128 : i32
      %mul3A_75 = arith.muli %shift_right_arithmetic3A_73, %mul3A_74 : i32
      %multiple_of3A_76 = tpu.assume_multiple %mul3A_75, 128 : i32
      %dma_start3A_77 = arith.constant 3 : i32
      %dma_start3A_78 = arith.constant 0 : i32
      %dma_start3A_79 = arith.constant 0 : i32
      %dma_start3A_80 = tpu.memref_slice %arg6[%dma_start3A_77, %dma_start3A_78, %dma_start3A_79] : memref<16x32x128xf32, #tpu.memory_space<vmem>> -> memref<1x32x128xf32, #tpu.memory_space<vmem>>
      %dma_start3A_81 = tpu.memref_squeeze %dma_start3A_80 : memref<1x32x128xf32, #tpu.memory_space<vmem>> -> memref<32x128xf32, #tpu.memory_space<vmem>>
      %dma_start3A_82 = arith.constant 0 : i32
      %dma_start3A_83 = tpu.memref_slice %arg3[%dma_start3A_82, %multiple_of3A_76] : memref<32x1000000xf32, #tpu.memory_space<hbm>> -> memref<32x128xf32, #tpu.memory_space<hbm>>
      %dma_start3A_84 = arith.constant 0 : i32
      %dma_start3A_85 = arith.constant 0 : i32
      %dma_start3A_86 = tpu.memref_slice %arg6[%dma_start3A_77, %dma_start3A_84, %dma_start3A_85] : memref<16x32x128xf32, #tpu.memory_space<vmem>> -> memref<1x32x128xf32, #tpu.memory_space<vmem>>
      %dma_start3A_87 = tpu.memref_squeeze %dma_start3A_86 : memref<1x32x128xf32, #tpu.memory_space<vmem>> -> memref<32x128xf32, #tpu.memory_space<vmem>>
      %dma_start3A_88 = arith.constant 0 : i32
      %dma_start3A_89 = tpu.memref_slice %arg3[%dma_start3A_88, %multiple_of3A_76] : memref<32x1000000xf32, #tpu.memory_space<hbm>> -> memref<32x128xf32, #tpu.memory_space<hbm>>
      tpu.enqueue_dma source(%dma_start3A_89 : memref<32x128xf32, #tpu.memory_space<hbm>>) target(%dma_start3A_87 : memref<32x128xf32, #tpu.memory_space<vmem>>) target_semaphore(%arg8 : memref<!tpu.dma_semaphore, #tpu.memory_space<semaphore_mem>>)
      %slice3A_90 = vector.extract_strided_slice %get3A_14 {offsets = [4], sizes = [1], strides = [1]} : vector<16xi32> to vector<1xi32>
      %squeeze3A_91 = vector.extract %slice3A_90[0] : i32 from vector<1xi32>
      %shift_right_arithmetic3A_92 = arith.constant 7 : i32
      %shift_right_arithmetic3A_93 = arith.shrsi %squeeze3A_91, %shift_right_arithmetic3A_92 : i32
      %mul3A_94 = arith.constant 128 : i32
      %mul3A_95 = arith.muli %shift_right_arithmetic3A_93, %mul3A_94 : i32
      %multiple_of3A_96 = tpu.assume_multiple %mul3A_95, 128 : i32
      %dma_start3A_97 = arith.constant 4 : i32
      %dma_start3A_98 = arith.constant 0 : i32
      %dma_start3A_99 = arith.constant 0 : i32
      %dma_start3A_100 = tpu.memref_slice %arg6[%dma_start3A_97, %dma_start3A_98, %dma_start3A_99] : memref<16x32x128xf32, #tpu.memory_space<vmem>> -> memref<1x32x128xf32, #tpu.memory_space<vmem>>
      %dma_start3A_101 = tpu.memref_squeeze %dma_start3A_100 : memref<1x32x128xf32, #tpu.memory_space<vmem>> -> memref<32x128xf32, #tpu.memory_space<vmem>>
      %dma_start3A_102 = arith.constant 0 : i32
      %dma_start3A_103 = tpu.memref_slice %arg3[%dma_start3A_102, %multiple_of3A_96] : memref<32x1000000xf32, #tpu.memory_space<hbm>> -> memref<32x128xf32, #tpu.memory_space<hbm>>
      %dma_start3A_104 = arith.constant 0 : i32
      %dma_start3A_105 = arith.constant 0 : i32
      %dma_start3A_106 = tpu.memref_slice %arg6[%dma_start3A_97, %dma_start3A_104, %dma_start3A_105] : memref<16x32x128xf32, #tpu.memory_space<vmem>> -> memref<1x32x128xf32, #tpu.memory_space<vmem>>
      %dma_start3A_107 = tpu.memref_squeeze %dma_start3A_106 : memref<1x32x128xf32, #tpu.memory_space<vmem>> -> memref<32x128xf32, #tpu.memory_space<vmem>>
      %dma_start3A_108 = arith.constant 0 : i32
      %dma_start3A_109 = tpu.memref_slice %arg3[%dma_start3A_108, %multiple_of3A_96] : memref<32x1000000xf32, #tpu.memory_space<hbm>> -> memref<32x128xf32, #tpu.memory_space<hbm>>
      tpu.enqueue_dma source(%dma_start3A_109 : memref<32x128xf32, #tpu.memory_space<hbm>>) target(%dma_start3A_107 : memref<32x128xf32, #tpu.memory_space<vmem>>) target_semaphore(%arg8 : memref<!tpu.dma_semaphore, #tpu.memory_space<semaphore_mem>>)
      %slice3A_110 = vector.extract_strided_slice %get3A_14 {offsets = [5], sizes = [1], strides = [1]} : vector<16xi32> to vector<1xi32>
      %squeeze3A_111 = vector.extract %slice3A_110[0] : i32 from vector<1xi32>
      %shift_right_arithmetic3A_112 = arith.constant 7 : i32
      %shift_right_arithmetic3A_113 = arith.shrsi %squeeze3A_111, %shift_right_arithmetic3A_112 : i32
      %mul3A_114 = arith.constant 128 : i32
      %mul3A_115 = arith.muli %shift_right_arithmetic3A_113, %mul3A_114 : i32
      %multiple_of3A_116 = tpu.assume_multiple %mul3A_115, 128 : i32
      %dma_start3A_117 = arith.constant 5 : i32
      %dma_start3A_118 = arith.constant 0 : i32
      %dma_start3A_119 = arith.constant 0 : i32
      %dma_start3A_120 = tpu.memref_slice %arg6[%dma_start3A_117, %dma_start3A_118, %dma_start3A_119] : memref<16x32x128xf32, #tpu.memory_space<vmem>> -> memref<1x32x128xf32, #tpu.memory_space<vmem>>
      %dma_start3A_121 = tpu.memref_squeeze %dma_start3A_120 : memref<1x32x128xf32, #tpu.memory_space<vmem>> -> memref<32x128xf32, #tpu.memory_space<vmem>>
      %dma_start3A_122 = arith.constant 0 : i32
      %dma_start3A_123 = tpu.memref_slice %arg3[%dma_start3A_122, %multiple_of3A_116] : memref<32x1000000xf32, #tpu.memory_space<hbm>> -> memref<32x128xf32, #tpu.memory_space<hbm>>
      %dma_start3A_124 = arith.constant 0 : i32
      %dma_start3A_125 = arith.constant 0 : i32
      %dma_start3A_126 = tpu.memref_slice %arg6[%dma_start3A_117, %dma_start3A_124, %dma_start3A_125] : memref<16x32x128xf32, #tpu.memory_space<vmem>> -> memref<1x32x128xf32, #tpu.memory_space<vmem>>
      %dma_start3A_127 = tpu.memref_squeeze %dma_start3A_126 : memref<1x32x128xf32, #tpu.memory_space<vmem>> -> memref<32x128xf32, #tpu.memory_space<vmem>>
      %dma_start3A_128 = arith.constant 0 : i32
      %dma_start3A_129 = tpu.memref_slice %arg3[%dma_start3A_128, %multiple_of3A_116] : memref<32x1000000xf32, #tpu.memory_space<hbm>> -> memref<32x128xf32, #tpu.memory_space<hbm>>
      tpu.enqueue_dma source(%dma_start3A_129 : memref<32x128xf32, #tpu.memory_space<hbm>>) target(%dma_start3A_127 : memref<32x128xf32, #tpu.memory_space<vmem>>) target_semaphore(%arg8 : memref<!tpu.dma_semaphore, #tpu.memory_space<semaphore_mem>>)
      %slice3A_130 = vector.extract_strided_slice %get3A_14 {offsets = [6], sizes = [1], strides = [1]} : vector<16xi32> to vector<1xi32>
      %squeeze3A_131 = vector.extract %slice3A_130[0] : i32 from vector<1xi32>
      %shift_right_arithmetic3A_132 = arith.constant 7 : i32
      %shift_right_arithmetic3A_133 = arith.shrsi %squeeze3A_131, %shift_right_arithmetic3A_132 : i32
      %mul3A_134 = arith.constant 128 : i32
      %mul3A_135 = arith.muli %shift_right_arithmetic3A_133, %mul3A_134 : i32
      %multiple_of3A_136 = tpu.assume_multiple %mul3A_135, 128 : i32
      %dma_start3A_137 = arith.constant 6 : i32
      %dma_start3A_138 = arith.constant 0 : i32
      %dma_start3A_139 = arith.constant 0 : i32
      %dma_start3A_140 = tpu.memref_slice %arg6[%dma_start3A_137, %dma_start3A_138, %dma_start3A_139] : memref<16x32x128xf32, #tpu.memory_space<vmem>> -> memref<1x32x128xf32, #tpu.memory_space<vmem>>
      %dma_start3A_141 = tpu.memref_squeeze %dma_start3A_140 : memref<1x32x128xf32, #tpu.memory_space<vmem>> -> memref<32x128xf32, #tpu.memory_space<vmem>>
      %dma_start3A_142 = arith.constant 0 : i32
      %dma_start3A_143 = tpu.memref_slice %arg3[%dma_start3A_142, %multiple_of3A_136] : memref<32x1000000xf32, #tpu.memory_space<hbm>> -> memref<32x128xf32, #tpu.memory_space<hbm>>
      %dma_start3A_144 = arith.constant 0 : i32
      %dma_start3A_145 = arith.constant 0 : i32
      %dma_start3A_146 = tpu.memref_slice %arg6[%dma_start3A_137, %dma_start3A_144, %dma_start3A_145] : memref<16x32x128xf32, #tpu.memory_space<vmem>> -> memref<1x32x128xf32, #tpu.memory_space<vmem>>
      %dma_start3A_147 = tpu.memref_squeeze %dma_start3A_146 : memref<1x32x128xf32, #tpu.memory_space<vmem>> -> memref<32x128xf32, #tpu.memory_space<vmem>>
      %dma_start3A_148 = arith.constant 0 : i32
      %dma_start3A_149 = tpu.memref_slice %arg3[%dma_start3A_148, %multiple_of3A_136] : memref<32x1000000xf32, #tpu.memory_space<hbm>> -> memref<32x128xf32, #tpu.memory_space<hbm>>
      tpu.enqueue_dma source(%dma_start3A_149 : memref<32x128xf32, #tpu.memory_space<hbm>>) target(%dma_start3A_147 : memref<32x128xf32, #tpu.memory_space<vmem>>) target_semaphore(%arg8 : memref<!tpu.dma_semaphore, #tpu.memory_space<semaphore_mem>>)
      %slice3A_150 = vector.extract_strided_slice %get3A_14 {offsets = [7], sizes = [1], strides = [1]} : vector<16xi32> to vector<1xi32>
      %squeeze3A_151 = vector.extract %slice3A_150[0] : i32 from vector<1xi32>
      %shift_right_arithmetic3A_152 = arith.constant 7 : i32
      %shift_right_arithmetic3A_153 = arith.shrsi %squeeze3A_151, %shift_right_arithmetic3A_152 : i32
      %mul3A_154 = arith.constant 128 : i32
      %mul3A_155 = arith.muli %shift_right_arithmetic3A_153, %mul3A_154 : i32
      %multiple_of3A_156 = tpu.assume_multiple %mul3A_155, 128 : i32
      %dma_start3A_157 = arith.constant 7 : i32
      %dma_start3A_158 = arith.constant 0 : i32
      %dma_start3A_159 = arith.constant 0 : i32
      %dma_start3A_160 = tpu.memref_slice %arg6[%dma_start3A_157, %dma_start3A_158, %dma_start3A_159] : memref<16x32x128xf32, #tpu.memory_space<vmem>> -> memref<1x32x128xf32, #tpu.memory_space<vmem>>
      %dma_start3A_161 = tpu.memref_squeeze %dma_start3A_160 : memref<1x32x128xf32, #tpu.memory_space<vmem>> -> memref<32x128xf32, #tpu.memory_space<vmem>>
      %dma_start3A_162 = arith.constant 0 : i32
      %dma_start3A_163 = tpu.memref_slice %arg3[%dma_start3A_162, %multiple_of3A_156] : memref<32x1000000xf32, #tpu.memory_space<hbm>> -> memref<32x128xf32, #tpu.memory_space<hbm>>
      %dma_start3A_164 = arith.constant 0 : i32
      %dma_start3A_165 = arith.constant 0 : i32
      %dma_start3A_166 = tpu.memref_slice %arg6[%dma_start3A_157, %dma_start3A_164, %dma_start3A_165] : memref<16x32x128xf32, #tpu.memory_space<vmem>> -> memref<1x32x128xf32, #tpu.memory_space<vmem>>
      %dma_start3A_167 = tpu.memref_squeeze %dma_start3A_166 : memref<1x32x128xf32, #tpu.memory_space<vmem>> -> memref<32x128xf32, #tpu.memory_space<vmem>>
      %dma_start3A_168 = arith.constant 0 : i32
      %dma_start3A_169 = tpu.memref_slice %arg3[%dma_start3A_168, %multiple_of3A_156] : memref<32x1000000xf32, #tpu.memory_space<hbm>> -> memref<32x128xf32, #tpu.memory_space<hbm>>
      tpu.enqueue_dma source(%dma_start3A_169 : memref<32x128xf32, #tpu.memory_space<hbm>>) target(%dma_start3A_167 : memref<32x128xf32, #tpu.memory_space<vmem>>) target_semaphore(%arg8 : memref<!tpu.dma_semaphore, #tpu.memory_space<semaphore_mem>>)
      %slice3A_170 = vector.extract_strided_slice %get3A_14 {offsets = [8], sizes = [1], strides = [1]} : vector<16xi32> to vector<1xi32>
      %squeeze3A_171 = vector.extract %slice3A_170[0] : i32 from vector<1xi32>
      %shift_right_arithmetic3A_172 = arith.constant 7 : i32
      %shift_right_arithmetic3A_173 = arith.shrsi %squeeze3A_171, %shift_right_arithmetic3A_172 : i32
      %mul3A_174 = arith.constant 128 : i32
      %mul3A_175 = arith.muli %shift_right_arithmetic3A_173, %mul3A_174 : i32
      %multiple_of3A_176 = tpu.assume_multiple %mul3A_175, 128 : i32
      %dma_start3A_177 = arith.constant 8 : i32
      %dma_start3A_178 = arith.constant 0 : i32
      %dma_start3A_179 = arith.constant 0 : i32
      %dma_start3A_180 = tpu.memref_slice %arg6[%dma_start3A_177, %dma_start3A_178, %dma_start3A_179] : memref<16x32x128xf32, #tpu.memory_space<vmem>> -> memref<1x32x128xf32, #tpu.memory_space<vmem>>
      %dma_start3A_181 = tpu.memref_squeeze %dma_start3A_180 : memref<1x32x128xf32, #tpu.memory_space<vmem>> -> memref<32x128xf32, #tpu.memory_space<vmem>>
      %dma_start3A_182 = arith.constant 0 : i32
      %dma_start3A_183 = tpu.memref_slice %arg3[%dma_start3A_182, %multiple_of3A_176] : memref<32x1000000xf32, #tpu.memory_space<hbm>> -> memref<32x128xf32, #tpu.memory_space<hbm>>
      %dma_start3A_184 = arith.constant 0 : i32
      %dma_start3A_185 = arith.constant 0 : i32
      %dma_start3A_186 = tpu.memref_slice %arg6[%dma_start3A_177, %dma_start3A_184, %dma_start3A_185] : memref<16x32x128xf32, #tpu.memory_space<vmem>> -> memref<1x32x128xf32, #tpu.memory_space<vmem>>
      %dma_start3A_187 = tpu.memref_squeeze %dma_start3A_186 : memref<1x32x128xf32, #tpu.memory_space<vmem>> -> memref<32x128xf32, #tpu.memory_space<vmem>>
      %dma_start3A_188 = arith.constant 0 : i32
      %dma_start3A_189 = tpu.memref_slice %arg3[%dma_start3A_188, %multiple_of3A_176] : memref<32x1000000xf32, #tpu.memory_space<hbm>> -> memref<32x128xf32, #tpu.memory_space<hbm>>
      tpu.enqueue_dma source(%dma_start3A_189 : memref<32x128xf32, #tpu.memory_space<hbm>>) target(%dma_start3A_187 : memref<32x128xf32, #tpu.memory_space<vmem>>) target_semaphore(%arg8 : memref<!tpu.dma_semaphore, #tpu.memory_space<semaphore_mem>>)
      %slice3A_190 = vector.extract_strided_slice %get3A_14 {offsets = [9], sizes = [1], strides = [1]} : vector<16xi32> to vector<1xi32>
      %squeeze3A_191 = vector.extract %slice3A_190[0] : i32 from vector<1xi32>
      %shift_right_arithmetic3A_192 = arith.constant 7 : i32
      %shift_right_arithmetic3A_193 = arith.shrsi %squeeze3A_191, %shift_right_arithmetic3A_192 : i32
      %mul3A_194 = arith.constant 128 : i32
      %mul3A_195 = arith.muli %shift_right_arithmetic3A_193, %mul3A_194 : i32
      %multiple_of3A_196 = tpu.assume_multiple %mul3A_195, 128 : i32
      %dma_start3A_197 = arith.constant 9 : i32
      %dma_start3A_198 = arith.constant 0 : i32
      %dma_start3A_199 = arith.constant 0 : i32
      %dma_start3A_200 = tpu.memref_slice %arg6[%dma_start3A_197, %dma_start3A_198, %dma_start3A_199] : memref<16x32x128xf32, #tpu.memory_space<vmem>> -> memref<1x32x128xf32, #tpu.memory_space<vmem>>
      %dma_start3A_201 = tpu.memref_squeeze %dma_start3A_200 : memref<1x32x128xf32, #tpu.memory_space<vmem>> -> memref<32x128xf32, #tpu.memory_space<vmem>>
      %dma_start3A_202 = arith.constant 0 : i32
      %dma_start3A_203 = tpu.memref_slice %arg3[%dma_start3A_202, %multiple_of3A_196] : memref<32x1000000xf32, #tpu.memory_space<hbm>> -> memref<32x128xf32, #tpu.memory_space<hbm>>
      %dma_start3A_204 = arith.constant 0 : i32
      %dma_start3A_205 = arith.constant 0 : i32
      %dma_start3A_206 = tpu.memref_slice %arg6[%dma_start3A_197, %dma_start3A_204, %dma_start3A_205] : memref<16x32x128xf32, #tpu.memory_space<vmem>> -> memref<1x32x128xf32, #tpu.memory_space<vmem>>
      %dma_start3A_207 = tpu.memref_squeeze %dma_start3A_206 : memref<1x32x128xf32, #tpu.memory_space<vmem>> -> memref<32x128xf32, #tpu.memory_space<vmem>>
      %dma_start3A_208 = arith.constant 0 : i32
      %dma_start3A_209 = tpu.memref_slice %arg3[%dma_start3A_208, %multiple_of3A_196] : memref<32x1000000xf32, #tpu.memory_space<hbm>> -> memref<32x128xf32, #tpu.memory_space<hbm>>
      tpu.enqueue_dma source(%dma_start3A_209 : memref<32x128xf32, #tpu.memory_space<hbm>>) target(%dma_start3A_207 : memref<32x128xf32, #tpu.memory_space<vmem>>) target_semaphore(%arg8 : memref<!tpu.dma_semaphore, #tpu.memory_space<semaphore_mem>>)
      %slice3A_210 = vector.extract_strided_slice %get3A_14 {offsets = [10], sizes = [1], strides = [1]} : vector<16xi32> to vector<1xi32>
      %squeeze3A_211 = vector.extract %slice3A_210[0] : i32 from vector<1xi32>
      %shift_right_arithmetic3A_212 = arith.constant 7 : i32
      %shift_right_arithmetic3A_213 = arith.shrsi %squeeze3A_211, %shift_right_arithmetic3A_212 : i32
      %mul3A_214 = arith.constant 128 : i32
      %mul3A_215 = arith.muli %shift_right_arithmetic3A_213, %mul3A_214 : i32
      %multiple_of3A_216 = tpu.assume_multiple %mul3A_215, 128 : i32
      %dma_start3A_217 = arith.constant 10 : i32
      %dma_start3A_218 = arith.constant 0 : i32
      %dma_start3A_219 = arith.constant 0 : i32
      %dma_start3A_220 = tpu.memref_slice %arg6[%dma_start3A_217, %dma_start3A_218, %dma_start3A_219] : memref<16x32x128xf32, #tpu.memory_space<vmem>> -> memref<1x32x128xf32, #tpu.memory_space<vmem>>
      %dma_start3A_221 = tpu.memref_squeeze %dma_start3A_220 : memref<1x32x128xf32, #tpu.memory_space<vmem>> -> memref<32x128xf32, #tpu.memory_space<vmem>>
      %dma_start3A_222 = arith.constant 0 : i32
      %dma_start3A_223 = tpu.memref_slice %arg3[%dma_start3A_222, %multiple_of3A_216] : memref<32x1000000xf32, #tpu.memory_space<hbm>> -> memref<32x128xf32, #tpu.memory_space<hbm>>
      %dma_start3A_224 = arith.constant 0 : i32
      %dma_start3A_225 = arith.constant 0 : i32
      %dma_start3A_226 = tpu.memref_slice %arg6[%dma_start3A_217, %dma_start3A_224, %dma_start3A_225] : memref<16x32x128xf32, #tpu.memory_space<vmem>> -> memref<1x32x128xf32, #tpu.memory_space<vmem>>
      %dma_start3A_227 = tpu.memref_squeeze %dma_start3A_226 : memref<1x32x128xf32, #tpu.memory_space<vmem>> -> memref<32x128xf32, #tpu.memory_space<vmem>>
      %dma_start3A_228 = arith.constant 0 : i32
      %dma_start3A_229 = tpu.memref_slice %arg3[%dma_start3A_228, %multiple_of3A_216] : memref<32x1000000xf32, #tpu.memory_space<hbm>> -> memref<32x128xf32, #tpu.memory_space<hbm>>
      tpu.enqueue_dma source(%dma_start3A_229 : memref<32x128xf32, #tpu.memory_space<hbm>>) target(%dma_start3A_227 : memref<32x128xf32, #tpu.memory_space<vmem>>) target_semaphore(%arg8 : memref<!tpu.dma_semaphore, #tpu.memory_space<semaphore_mem>>)
      %slice3A_230 = vector.extract_strided_slice %get3A_14 {offsets = [11], sizes = [1], strides = [1]} : vector<16xi32> to vector<1xi32>
      %squeeze3A_231 = vector.extract %slice3A_230[0] : i32 from vector<1xi32>
      %shift_right_arithmetic3A_232 = arith.constant 7 : i32
      %shift_right_arithmetic3A_233 = arith.shrsi %squeeze3A_231, %shift_right_arithmetic3A_232 : i32
      %mul3A_234 = arith.constant 128 : i32
      %mul3A_235 = arith.muli %shift_right_arithmetic3A_233, %mul3A_234 : i32
      %multiple_of3A_236 = tpu.assume_multiple %mul3A_235, 128 : i32
      %dma_start3A_237 = arith.constant 11 : i32
      %dma_start3A_238 = arith.constant 0 : i32
      %dma_start3A_239 = arith.constant 0 : i32
      %dma_start3A_240 = tpu.memref_slice %arg6[%dma_start3A_237, %dma_start3A_238, %dma_start3A_239] : memref<16x32x128xf32, #tpu.memory_space<vmem>> -> memref<1x32x128xf32, #tpu.memory_space<vmem>>
      %dma_start3A_241 = tpu.memref_squeeze %dma_start3A_240 : memref<1x32x128xf32, #tpu.memory_space<vmem>> -> memref<32x128xf32, #tpu.memory_space<vmem>>
      %dma_start3A_242 = arith.constant 0 : i32
      %dma_start3A_243 = tpu.memref_slice %arg3[%dma_start3A_242, %multiple_of3A_236] : memref<32x1000000xf32, #tpu.memory_space<hbm>> -> memref<32x128xf32, #tpu.memory_space<hbm>>
      %dma_start3A_244 = arith.constant 0 : i32
      %dma_start3A_245 = arith.constant 0 : i32
      %dma_start3A_246 = tpu.memref_slice %arg6[%dma_start3A_237, %dma_start3A_244, %dma_start3A_245] : memref<16x32x128xf32, #tpu.memory_space<vmem>> -> memref<1x32x128xf32, #tpu.memory_space<vmem>>
      %dma_start3A_247 = tpu.memref_squeeze %dma_start3A_246 : memref<1x32x128xf32, #tpu.memory_space<vmem>> -> memref<32x128xf32, #tpu.memory_space<vmem>>
      %dma_start3A_248 = arith.constant 0 : i32
      %dma_start3A_249 = tpu.memref_slice %arg3[%dma_start3A_248, %multiple_of3A_236] : memref<32x1000000xf32, #tpu.memory_space<hbm>> -> memref<32x128xf32, #tpu.memory_space<hbm>>
      tpu.enqueue_dma source(%dma_start3A_249 : memref<32x128xf32, #tpu.memory_space<hbm>>) target(%dma_start3A_247 : memref<32x128xf32, #tpu.memory_space<vmem>>) target_semaphore(%arg8 : memref<!tpu.dma_semaphore, #tpu.memory_space<semaphore_mem>>)
      %slice3A_250 = vector.extract_strided_slice %get3A_14 {offsets = [12], sizes = [1], strides = [1]} : vector<16xi32> to vector<1xi32>
      %squeeze3A_251 = vector.extract %slice3A_250[0] : i32 from vector<1xi32>
      %shift_right_arithmetic3A_252 = arith.constant 7 : i32
      %shift_right_arithmetic3A_253 = arith.shrsi %squeeze3A_251, %shift_right_arithmetic3A_252 : i32
      %mul3A_254 = arith.constant 128 : i32
      %mul3A_255 = arith.muli %shift_right_arithmetic3A_253, %mul3A_254 : i32
      %multiple_of3A_256 = tpu.assume_multiple %mul3A_255, 128 : i32
      %dma_start3A_257 = arith.constant 12 : i32
      %dma_start3A_258 = arith.constant 0 : i32
      %dma_start3A_259 = arith.constant 0 : i32
      %dma_start3A_260 = tpu.memref_slice %arg6[%dma_start3A_257, %dma_start3A_258, %dma_start3A_259] : memref<16x32x128xf32, #tpu.memory_space<vmem>> -> memref<1x32x128xf32, #tpu.memory_space<vmem>>
      %dma_start3A_261 = tpu.memref_squeeze %dma_start3A_260 : memref<1x32x128xf32, #tpu.memory_space<vmem>> -> memref<32x128xf32, #tpu.memory_space<vmem>>
      %dma_start3A_262 = arith.constant 0 : i32
      %dma_start3A_263 = tpu.memref_slice %arg3[%dma_start3A_262, %multiple_of3A_256] : memref<32x1000000xf32, #tpu.memory_space<hbm>> -> memref<32x128xf32, #tpu.memory_space<hbm>>
      %dma_start3A_264 = arith.constant 0 : i32
      %dma_start3A_265 = arith.constant 0 : i32
      %dma_start3A_266 = tpu.memref_slice %arg6[%dma_start3A_257, %dma_start3A_264, %dma_start3A_265] : memref<16x32x128xf32, #tpu.memory_space<vmem>> -> memref<1x32x128xf32, #tpu.memory_space<vmem>>
      %dma_start3A_267 = tpu.memref_squeeze %dma_start3A_266 : memref<1x32x128xf32, #tpu.memory_space<vmem>> -> memref<32x128xf32, #tpu.memory_space<vmem>>
      %dma_start3A_268 = arith.constant 0 : i32
      %dma_start3A_269 = tpu.memref_slice %arg3[%dma_start3A_268, %multiple_of3A_256] : memref<32x1000000xf32, #tpu.memory_space<hbm>> -> memref<32x128xf32, #tpu.memory_space<hbm>>
      tpu.enqueue_dma source(%dma_start3A_269 : memref<32x128xf32, #tpu.memory_space<hbm>>) target(%dma_start3A_267 : memref<32x128xf32, #tpu.memory_space<vmem>>) target_semaphore(%arg8 : memref<!tpu.dma_semaphore, #tpu.memory_space<semaphore_mem>>)
      %slice3A_270 = vector.extract_strided_slice %get3A_14 {offsets = [13], sizes = [1], strides = [1]} : vector<16xi32> to vector<1xi32>
      %squeeze3A_271 = vector.extract %slice3A_270[0] : i32 from vector<1xi32>
      %shift_right_arithmetic3A_272 = arith.constant 7 : i32
      %shift_right_arithmetic3A_273 = arith.shrsi %squeeze3A_271, %shift_right_arithmetic3A_272 : i32
      %mul3A_274 = arith.constant 128 : i32
      %mul3A_275 = arith.muli %shift_right_arithmetic3A_273, %mul3A_274 : i32
      %multiple_of3A_276 = tpu.assume_multiple %mul3A_275, 128 : i32
      %dma_start3A_277 = arith.constant 13 : i32
      %dma_start3A_278 = arith.constant 0 : i32
      %dma_start3A_279 = arith.constant 0 : i32
      %dma_start3A_280 = tpu.memref_slice %arg6[%dma_start3A_277, %dma_start3A_278, %dma_start3A_279] : memref<16x32x128xf32, #tpu.memory_space<vmem>> -> memref<1x32x128xf32, #tpu.memory_space<vmem>>
      %dma_start3A_281 = tpu.memref_squeeze %dma_start3A_280 : memref<1x32x128xf32, #tpu.memory_space<vmem>> -> memref<32x128xf32, #tpu.memory_space<vmem>>
      %dma_start3A_282 = arith.constant 0 : i32
      %dma_start3A_283 = tpu.memref_slice %arg3[%dma_start3A_282, %multiple_of3A_276] : memref<32x1000000xf32, #tpu.memory_space<hbm>> -> memref<32x128xf32, #tpu.memory_space<hbm>>
      %dma_start3A_284 = arith.constant 0 : i32
      %dma_start3A_285 = arith.constant 0 : i32
      %dma_start3A_286 = tpu.memref_slice %arg6[%dma_start3A_277, %dma_start3A_284, %dma_start3A_285] : memref<16x32x128xf32, #tpu.memory_space<vmem>> -> memref<1x32x128xf32, #tpu.memory_space<vmem>>
      %dma_start3A_287 = tpu.memref_squeeze %dma_start3A_286 : memref<1x32x128xf32, #tpu.memory_space<vmem>> -> memref<32x128xf32, #tpu.memory_space<vmem>>
      %dma_start3A_288 = arith.constant 0 : i32
      %dma_start3A_289 = tpu.memref_slice %arg3[%dma_start3A_288, %multiple_of3A_276] : memref<32x1000000xf32, #tpu.memory_space<hbm>> -> memref<32x128xf32, #tpu.memory_space<hbm>>
      tpu.enqueue_dma source(%dma_start3A_289 : memref<32x128xf32, #tpu.memory_space<hbm>>) target(%dma_start3A_287 : memref<32x128xf32, #tpu.memory_space<vmem>>) target_semaphore(%arg8 : memref<!tpu.dma_semaphore, #tpu.memory_space<semaphore_mem>>)
      %slice3A_290 = vector.extract_strided_slice %get3A_14 {offsets = [14], sizes = [1], strides = [1]} : vector<16xi32> to vector<1xi32>
      %squeeze3A_291 = vector.extract %slice3A_290[0] : i32 from vector<1xi32>
      %shift_right_arithmetic3A_292 = arith.constant 7 : i32
      %shift_right_arithmetic3A_293 = arith.shrsi %squeeze3A_291, %shift_right_arithmetic3A_292 : i32
      %mul3A_294 = arith.constant 128 : i32
      %mul3A_295 = arith.muli %shift_right_arithmetic3A_293, %mul3A_294 : i32
      %multiple_of3A_296 = tpu.assume_multiple %mul3A_295, 128 : i32
      %dma_start3A_297 = arith.constant 14 : i32
      %dma_start3A_298 = arith.constant 0 : i32
      %dma_start3A_299 = arith.constant 0 : i32
      %dma_start3A_300 = tpu.memref_slice %arg6[%dma_start3A_297, %dma_start3A_298, %dma_start3A_299] : memref<16x32x128xf32, #tpu.memory_space<vmem>> -> memref<1x32x128xf32, #tpu.memory_space<vmem>>
      %dma_start3A_301 = tpu.memref_squeeze %dma_start3A_300 : memref<1x32x128xf32, #tpu.memory_space<vmem>> -> memref<32x128xf32, #tpu.memory_space<vmem>>
      %dma_start3A_302 = arith.constant 0 : i32
      %dma_start3A_303 = tpu.memref_slice %arg3[%dma_start3A_302, %multiple_of3A_296] : memref<32x1000000xf32, #tpu.memory_space<hbm>> -> memref<32x128xf32, #tpu.memory_space<hbm>>
      %dma_start3A_304 = arith.constant 0 : i32
      %dma_start3A_305 = arith.constant 0 : i32
      %dma_start3A_306 = tpu.memref_slice %arg6[%dma_start3A_297, %dma_start3A_304, %dma_start3A_305] : memref<16x32x128xf32, #tpu.memory_space<vmem>> -> memref<1x32x128xf32, #tpu.memory_space<vmem>>
      %dma_start3A_307 = tpu.memref_squeeze %dma_start3A_306 : memref<1x32x128xf32, #tpu.memory_space<vmem>> -> memref<32x128xf32, #tpu.memory_space<vmem>>
      %dma_start3A_308 = arith.constant 0 : i32
      %dma_start3A_309 = tpu.memref_slice %arg3[%dma_start3A_308, %multiple_of3A_296] : memref<32x1000000xf32, #tpu.memory_space<hbm>> -> memref<32x128xf32, #tpu.memory_space<hbm>>
      tpu.enqueue_dma source(%dma_start3A_309 : memref<32x128xf32, #tpu.memory_space<hbm>>) target(%dma_start3A_307 : memref<32x128xf32, #tpu.memory_space<vmem>>) target_semaphore(%arg8 : memref<!tpu.dma_semaphore, #tpu.memory_space<semaphore_mem>>)
      %slice3A_310 = vector.extract_strided_slice %get3A_14 {offsets = [15], sizes = [1], strides = [1]} : vector<16xi32> to vector<1xi32>
      %squeeze3A_311 = vector.extract %slice3A_310[0] : i32 from vector<1xi32>
      %shift_right_arithmetic3A_312 = arith.constant 7 : i32
      %shift_right_arithmetic3A_313 = arith.shrsi %squeeze3A_311, %shift_right_arithmetic3A_312 : i32
      %mul3A_314 = arith.constant 128 : i32
      %mul3A_315 = arith.muli %shift_right_arithmetic3A_313, %mul3A_314 : i32
      %multiple_of3A_316 = tpu.assume_multiple %mul3A_315, 128 : i32
      %dma_start3A_317 = arith.constant 15 : i32
      %dma_start3A_318 = arith.constant 0 : i32
      %dma_start3A_319 = arith.constant 0 : i32
      %dma_start3A_320 = tpu.memref_slice %arg6[%dma_start3A_317, %dma_start3A_318, %dma_start3A_319] : memref<16x32x128xf32, #tpu.memory_space<vmem>> -> memref<1x32x128xf32, #tpu.memory_space<vmem>>
      %dma_start3A_321 = tpu.memref_squeeze %dma_start3A_320 : memref<1x32x128xf32, #tpu.memory_space<vmem>> -> memref<32x128xf32, #tpu.memory_space<vmem>>
      %dma_start3A_322 = arith.constant 0 : i32
      %dma_start3A_323 = tpu.memref_slice %arg3[%dma_start3A_322, %multiple_of3A_316] : memref<32x1000000xf32, #tpu.memory_space<hbm>> -> memref<32x128xf32, #tpu.memory_space<hbm>>
      %dma_start3A_324 = arith.constant 0 : i32
      %dma_start3A_325 = arith.constant 0 : i32
      %dma_start3A_326 = tpu.memref_slice %arg6[%dma_start3A_317, %dma_start3A_324, %dma_start3A_325] : memref<16x32x128xf32, #tpu.memory_space<vmem>> -> memref<1x32x128xf32, #tpu.memory_space<vmem>>
      %dma_start3A_327 = tpu.memref_squeeze %dma_start3A_326 : memref<1x32x128xf32, #tpu.memory_space<vmem>> -> memref<32x128xf32, #tpu.memory_space<vmem>>
      %dma_start3A_328 = arith.constant 0 : i32
      %dma_start3A_329 = tpu.memref_slice %arg3[%dma_start3A_328, %multiple_of3A_316] : memref<32x1000000xf32, #tpu.memory_space<hbm>> -> memref<32x128xf32, #tpu.memory_space<hbm>>
      tpu.enqueue_dma source(%dma_start3A_329 : memref<32x128xf32, #tpu.memory_space<hbm>>) target(%dma_start3A_327 : memref<32x128xf32, #tpu.memory_space<vmem>>) target_semaphore(%arg8 : memref<!tpu.dma_semaphore, #tpu.memory_space<semaphore_mem>>)
      %dma_wait3A = arith.constant 0 : i32
      %dma_wait3A_330 = arith.constant 0 : i32
      %dma_wait3A_331 = arith.constant 0 : i32
      %dma_wait3A_332 = tpu.memref_slice %arg6[%dma_wait3A, %dma_wait3A_330, %dma_wait3A_331] : memref<16x32x128xf32, #tpu.memory_space<vmem>> -> memref<1x32x128xf32, #tpu.memory_space<vmem>>
      %dma_wait3A_333 = tpu.memref_squeeze %dma_wait3A_332 : memref<1x32x128xf32, #tpu.memory_space<vmem>> -> memref<32x128xf32, #tpu.memory_space<vmem>>
      %dma_wait3A_334 = arith.constant 0 : i32
      %dma_wait3A_335 = tpu.memref_slice %arg3[%dma_wait3A_334, %multiple_of3A] : memref<32x1000000xf32, #tpu.memory_space<hbm>> -> memref<32x128xf32, #tpu.memory_space<hbm>>
      %dma_wait3A_336 = arith.constant 0 : i32
      %dma_wait3A_337 = arith.constant 0 : i32
      %dma_wait3A_338 = tpu.memref_slice %arg6[%dma_wait3A, %dma_wait3A_336, %dma_wait3A_337] : memref<16x32x128xf32, #tpu.memory_space<vmem>> -> memref<1x32x128xf32, #tpu.memory_space<vmem>>
      %dma_wait3A_339 = tpu.memref_squeeze %dma_wait3A_338 : memref<1x32x128xf32, #tpu.memory_space<vmem>> -> memref<32x128xf32, #tpu.memory_space<vmem>>
      %dma_wait3A_340 = arith.constant 0 : i32
      %dma_wait3A_341 = tpu.memref_slice %arg3[%dma_wait3A_340, %multiple_of3A] : memref<32x1000000xf32, #tpu.memory_space<hbm>> -> memref<32x128xf32, #tpu.memory_space<hbm>>
      tpu.wait_dma2 semaphore(%arg8 : memref<!tpu.dma_semaphore, #tpu.memory_space<semaphore_mem>>) src(%dma_wait3A_341 : memref<32x128xf32, #tpu.memory_space<hbm>>) dst(%dma_wait3A_339 : memref<32x128xf32, #tpu.memory_space<vmem>>)
      %dma_wait3A_342 = arith.constant 1 : i32
      %dma_wait3A_343 = arith.constant 0 : i32
      %dma_wait3A_344 = arith.constant 0 : i32
      %dma_wait3A_345 = tpu.memref_slice %arg6[%dma_wait3A_342, %dma_wait3A_343, %dma_wait3A_344] : memref<16x32x128xf32, #tpu.memory_space<vmem>> -> memref<1x32x128xf32, #tpu.memory_space<vmem>>
      %dma_wait3A_346 = tpu.memref_squeeze %dma_wait3A_345 : memref<1x32x128xf32, #tpu.memory_space<vmem>> -> memref<32x128xf32, #tpu.memory_space<vmem>>
      %dma_wait3A_347 = arith.constant 0 : i32
      %dma_wait3A_348 = tpu.memref_slice %arg3[%dma_wait3A_347, %multiple_of3A_36] : memref<32x1000000xf32, #tpu.memory_space<hbm>> -> memref<32x128xf32, #tpu.memory_space<hbm>>
      %dma_wait3A_349 = arith.constant 0 : i32
      %dma_wait3A_350 = arith.constant 0 : i32
      %dma_wait3A_351 = tpu.memref_slice %arg6[%dma_wait3A_342, %dma_wait3A_349, %dma_wait3A_350] : memref<16x32x128xf32, #tpu.memory_space<vmem>> -> memref<1x32x128xf32, #tpu.memory_space<vmem>>
      %dma_wait3A_352 = tpu.memref_squeeze %dma_wait3A_351 : memref<1x32x128xf32, #tpu.memory_space<vmem>> -> memref<32x128xf32, #tpu.memory_space<vmem>>
      %dma_wait3A_353 = arith.constant 0 : i32
      %dma_wait3A_354 = tpu.memref_slice %arg3[%dma_wait3A_353, %multiple_of3A_36] : memref<32x1000000xf32, #tpu.memory_space<hbm>> -> memref<32x128xf32, #tpu.memory_space<hbm>>
      tpu.wait_dma2 semaphore(%arg8 : memref<!tpu.dma_semaphore, #tpu.memory_space<semaphore_mem>>) src(%dma_wait3A_354 : memref<32x128xf32, #tpu.memory_space<hbm>>) dst(%dma_wait3A_352 : memref<32x128xf32, #tpu.memory_space<vmem>>)
      %dma_wait3A_355 = arith.constant 2 : i32
      %dma_wait3A_356 = arith.constant 0 : i32
      %dma_wait3A_357 = arith.constant 0 : i32
      %dma_wait3A_358 = tpu.memref_slice %arg6[%dma_wait3A_355, %dma_wait3A_356, %dma_wait3A_357] : memref<16x32x128xf32, #tpu.memory_space<vmem>> -> memref<1x32x128xf32, #tpu.memory_space<vmem>>
      %dma_wait3A_359 = tpu.memref_squeeze %dma_wait3A_358 : memref<1x32x128xf32, #tpu.memory_space<vmem>> -> memref<32x128xf32, #tpu.memory_space<vmem>>
      %dma_wait3A_360 = arith.constant 0 : i32
      %dma_wait3A_361 = tpu.memref_slice %arg3[%dma_wait3A_360, %multiple_of3A_56] : memref<32x1000000xf32, #tpu.memory_space<hbm>> -> memref<32x128xf32, #tpu.memory_space<hbm>>
      %dma_wait3A_362 = arith.constant 0 : i32
      %dma_wait3A_363 = arith.constant 0 : i32
      %dma_wait3A_364 = tpu.memref_slice %arg6[%dma_wait3A_355, %dma_wait3A_362, %dma_wait3A_363] : memref<16x32x128xf32, #tpu.memory_space<vmem>> -> memref<1x32x128xf32, #tpu.memory_space<vmem>>
      %dma_wait3A_365 = tpu.memref_squeeze %dma_wait3A_364 : memref<1x32x128xf32, #tpu.memory_space<vmem>> -> memref<32x128xf32, #tpu.memory_space<vmem>>
      %dma_wait3A_366 = arith.constant 0 : i32
      %dma_wait3A_367 = tpu.memref_slice %arg3[%dma_wait3A_366, %multiple_of3A_56] : memref<32x1000000xf32, #tpu.memory_space<hbm>> -> memref<32x128xf32, #tpu.memory_space<hbm>>
      tpu.wait_dma2 semaphore(%arg8 : memref<!tpu.dma_semaphore, #tpu.memory_space<semaphore_mem>>) src(%dma_wait3A_367 : memref<32x128xf32, #tpu.memory_space<hbm>>) dst(%dma_wait3A_365 : memref<32x128xf32, #tpu.memory_space<vmem>>)
      %dma_wait3A_368 = arith.constant 3 : i32
      %dma_wait3A_369 = arith.constant 0 : i32
      %dma_wait3A_370 = arith.constant 0 : i32
      %dma_wait3A_371 = tpu.memref_slice %arg6[%dma_wait3A_368, %dma_wait3A_369, %dma_wait3A_370] : memref<16x32x128xf32, #tpu.memory_space<vmem>> -> memref<1x32x128xf32, #tpu.memory_space<vmem>>
      %dma_wait3A_372 = tpu.memref_squeeze %dma_wait3A_371 : memref<1x32x128xf32, #tpu.memory_space<vmem>> -> memref<32x128xf32, #tpu.memory_space<vmem>>
      %dma_wait3A_373 = arith.constant 0 : i32
      %dma_wait3A_374 = tpu.memref_slice %arg3[%dma_wait3A_373, %multiple_of3A_76] : memref<32x1000000xf32, #tpu.memory_space<hbm>> -> memref<32x128xf32, #tpu.memory_space<hbm>>
      %dma_wait3A_375 = arith.constant 0 : i32
      %dma_wait3A_376 = arith.constant 0 : i32
      %dma_wait3A_377 = tpu.memref_slice %arg6[%dma_wait3A_368, %dma_wait3A_375, %dma_wait3A_376] : memref<16x32x128xf32, #tpu.memory_space<vmem>> -> memref<1x32x128xf32, #tpu.memory_space<vmem>>
      %dma_wait3A_378 = tpu.memref_squeeze %dma_wait3A_377 : memref<1x32x128xf32, #tpu.memory_space<vmem>> -> memref<32x128xf32, #tpu.memory_space<vmem>>
      %dma_wait3A_379 = arith.constant 0 : i32
      %dma_wait3A_380 = tpu.memref_slice %arg3[%dma_wait3A_379, %multiple_of3A_76] : memref<32x1000000xf32, #tpu.memory_space<hbm>> -> memref<32x128xf32, #tpu.memory_space<hbm>>
      tpu.wait_dma2 semaphore(%arg8 : memref<!tpu.dma_semaphore, #tpu.memory_space<semaphore_mem>>) src(%dma_wait3A_380 : memref<32x128xf32, #tpu.memory_space<hbm>>) dst(%dma_wait3A_378 : memref<32x128xf32, #tpu.memory_space<vmem>>)
      %dma_wait3A_381 = arith.constant 4 : i32
      %dma_wait3A_382 = arith.constant 0 : i32
      %dma_wait3A_383 = arith.constant 0 : i32
      %dma_wait3A_384 = tpu.memref_slice %arg6[%dma_wait3A_381, %dma_wait3A_382, %dma_wait3A_383] : memref<16x32x128xf32, #tpu.memory_space<vmem>> -> memref<1x32x128xf32, #tpu.memory_space<vmem>>
      %dma_wait3A_385 = tpu.memref_squeeze %dma_wait3A_384 : memref<1x32x128xf32, #tpu.memory_space<vmem>> -> memref<32x128xf32, #tpu.memory_space<vmem>>
      %dma_wait3A_386 = arith.constant 0 : i32
      %dma_wait3A_387 = tpu.memref_slice %arg3[%dma_wait3A_386, %multiple_of3A_96] : memref<32x1000000xf32, #tpu.memory_space<hbm>> -> memref<32x128xf32, #tpu.memory_space<hbm>>
      %dma_wait3A_388 = arith.constant 0 : i32
      %dma_wait3A_389 = arith.constant 0 : i32
      %dma_wait3A_390 = tpu.memref_slice %arg6[%dma_wait3A_381, %dma_wait3A_388, %dma_wait3A_389] : memref<16x32x128xf32, #tpu.memory_space<vmem>> -> memref<1x32x128xf32, #tpu.memory_space<vmem>>
      %dma_wait3A_391 = tpu.memref_squeeze %dma_wait3A_390 : memref<1x32x128xf32, #tpu.memory_space<vmem>> -> memref<32x128xf32, #tpu.memory_space<vmem>>
      %dma_wait3A_392 = arith.constant 0 : i32
      %dma_wait3A_393 = tpu.memref_slice %arg3[%dma_wait3A_392, %multiple_of3A_96] : memref<32x1000000xf32, #tpu.memory_space<hbm>> -> memref<32x128xf32, #tpu.memory_space<hbm>>
      tpu.wait_dma2 semaphore(%arg8 : memref<!tpu.dma_semaphore, #tpu.memory_space<semaphore_mem>>) src(%dma_wait3A_393 : memref<32x128xf32, #tpu.memory_space<hbm>>) dst(%dma_wait3A_391 : memref<32x128xf32, #tpu.memory_space<vmem>>)
      %dma_wait3A_394 = arith.constant 5 : i32
      %dma_wait3A_395 = arith.constant 0 : i32
      %dma_wait3A_396 = arith.constant 0 : i32
      %dma_wait3A_397 = tpu.memref_slice %arg6[%dma_wait3A_394, %dma_wait3A_395, %dma_wait3A_396] : memref<16x32x128xf32, #tpu.memory_space<vmem>> -> memref<1x32x128xf32, #tpu.memory_space<vmem>>
      %dma_wait3A_398 = tpu.memref_squeeze %dma_wait3A_397 : memref<1x32x128xf32, #tpu.memory_space<vmem>> -> memref<32x128xf32, #tpu.memory_space<vmem>>
      %dma_wait3A_399 = arith.constant 0 : i32
      %dma_wait3A_400 = tpu.memref_slice %arg3[%dma_wait3A_399, %multiple_of3A_116] : memref<32x1000000xf32, #tpu.memory_space<hbm>> -> memref<32x128xf32, #tpu.memory_space<hbm>>
      %dma_wait3A_401 = arith.constant 0 : i32
      %dma_wait3A_402 = arith.constant 0 : i32
      %dma_wait3A_403 = tpu.memref_slice %arg6[%dma_wait3A_394, %dma_wait3A_401, %dma_wait3A_402] : memref<16x32x128xf32, #tpu.memory_space<vmem>> -> memref<1x32x128xf32, #tpu.memory_space<vmem>>
      %dma_wait3A_404 = tpu.memref_squeeze %dma_wait3A_403 : memref<1x32x128xf32, #tpu.memory_space<vmem>> -> memref<32x128xf32, #tpu.memory_space<vmem>>
      %dma_wait3A_405 = arith.constant 0 : i32
      %dma_wait3A_406 = tpu.memref_slice %arg3[%dma_wait3A_405, %multiple_of3A_116] : memref<32x1000000xf32, #tpu.memory_space<hbm>> -> memref<32x128xf32, #tpu.memory_space<hbm>>
      tpu.wait_dma2 semaphore(%arg8 : memref<!tpu.dma_semaphore, #tpu.memory_space<semaphore_mem>>) src(%dma_wait3A_406 : memref<32x128xf32, #tpu.memory_space<hbm>>) dst(%dma_wait3A_404 : memref<32x128xf32, #tpu.memory_space<vmem>>)
      %dma_wait3A_407 = arith.constant 6 : i32
      %dma_wait3A_408 = arith.constant 0 : i32
      %dma_wait3A_409 = arith.constant 0 : i32
      %dma_wait3A_410 = tpu.memref_slice %arg6[%dma_wait3A_407, %dma_wait3A_408, %dma_wait3A_409] : memref<16x32x128xf32, #tpu.memory_space<vmem>> -> memref<1x32x128xf32, #tpu.memory_space<vmem>>
      %dma_wait3A_411 = tpu.memref_squeeze %dma_wait3A_410 : memref<1x32x128xf32, #tpu.memory_space<vmem>> -> memref<32x128xf32, #tpu.memory_space<vmem>>
      %dma_wait3A_412 = arith.constant 0 : i32
      %dma_wait3A_413 = tpu.memref_slice %arg3[%dma_wait3A_412, %multiple_of3A_136] : memref<32x1000000xf32, #tpu.memory_space<hbm>> -> memref<32x128xf32, #tpu.memory_space<hbm>>
      %dma_wait3A_414 = arith.constant 0 : i32
      %dma_wait3A_415 = arith.constant 0 : i32
      %dma_wait3A_416 = tpu.memref_slice %arg6[%dma_wait3A_407, %dma_wait3A_414, %dma_wait3A_415] : memref<16x32x128xf32, #tpu.memory_space<vmem>> -> memref<1x32x128xf32, #tpu.memory_space<vmem>>
      %dma_wait3A_417 = tpu.memref_squeeze %dma_wait3A_416 : memref<1x32x128xf32, #tpu.memory_space<vmem>> -> memref<32x128xf32, #tpu.memory_space<vmem>>
      %dma_wait3A_418 = arith.constant 0 : i32
      %dma_wait3A_419 = tpu.memref_slice %arg3[%dma_wait3A_418, %multiple_of3A_136] : memref<32x1000000xf32, #tpu.memory_space<hbm>> -> memref<32x128xf32, #tpu.memory_space<hbm>>
      tpu.wait_dma2 semaphore(%arg8 : memref<!tpu.dma_semaphore, #tpu.memory_space<semaphore_mem>>) src(%dma_wait3A_419 : memref<32x128xf32, #tpu.memory_space<hbm>>) dst(%dma_wait3A_417 : memref<32x128xf32, #tpu.memory_space<vmem>>)
      %dma_wait3A_420 = arith.constant 7 : i32
      %dma_wait3A_421 = arith.constant 0 : i32
      %dma_wait3A_422 = arith.constant 0 : i32
      %dma_wait3A_423 = tpu.memref_slice %arg6[%dma_wait3A_420, %dma_wait3A_421, %dma_wait3A_422] : memref<16x32x128xf32, #tpu.memory_space<vmem>> -> memref<1x32x128xf32, #tpu.memory_space<vmem>>
      %dma_wait3A_424 = tpu.memref_squeeze %dma_wait3A_423 : memref<1x32x128xf32, #tpu.memory_space<vmem>> -> memref<32x128xf32, #tpu.memory_space<vmem>>
      %dma_wait3A_425 = arith.constant 0 : i32
      %dma_wait3A_426 = tpu.memref_slice %arg3[%dma_wait3A_425, %multiple_of3A_156] : memref<32x1000000xf32, #tpu.memory_space<hbm>> -> memref<32x128xf32, #tpu.memory_space<hbm>>
      %dma_wait3A_427 = arith.constant 0 : i32
      %dma_wait3A_428 = arith.constant 0 : i32
      %dma_wait3A_429 = tpu.memref_slice %arg6[%dma_wait3A_420, %dma_wait3A_427, %dma_wait3A_428] : memref<16x32x128xf32, #tpu.memory_space<vmem>> -> memref<1x32x128xf32, #tpu.memory_space<vmem>>
      %dma_wait3A_430 = tpu.memref_squeeze %dma_wait3A_429 : memref<1x32x128xf32, #tpu.memory_space<vmem>> -> memref<32x128xf32, #tpu.memory_space<vmem>>
      %dma_wait3A_431 = arith.constant 0 : i32
      %dma_wait3A_432 = tpu.memref_slice %arg3[%dma_wait3A_431, %multiple_of3A_156] : memref<32x1000000xf32, #tpu.memory_space<hbm>> -> memref<32x128xf32, #tpu.memory_space<hbm>>
      tpu.wait_dma2 semaphore(%arg8 : memref<!tpu.dma_semaphore, #tpu.memory_space<semaphore_mem>>) src(%dma_wait3A_432 : memref<32x128xf32, #tpu.memory_space<hbm>>) dst(%dma_wait3A_430 : memref<32x128xf32, #tpu.memory_space<vmem>>)
      %dma_wait3A_433 = arith.constant 8 : i32
      %dma_wait3A_434 = arith.constant 0 : i32
      %dma_wait3A_435 = arith.constant 0 : i32
      %dma_wait3A_436 = tpu.memref_slice %arg6[%dma_wait3A_433, %dma_wait3A_434, %dma_wait3A_435] : memref<16x32x128xf32, #tpu.memory_space<vmem>> -> memref<1x32x128xf32, #tpu.memory_space<vmem>>
      %dma_wait3A_437 = tpu.memref_squeeze %dma_wait3A_436 : memref<1x32x128xf32, #tpu.memory_space<vmem>> -> memref<32x128xf32, #tpu.memory_space<vmem>>
      %dma_wait3A_438 = arith.constant 0 : i32
      %dma_wait3A_439 = tpu.memref_slice %arg3[%dma_wait3A_438, %multiple_of3A_176] : memref<32x1000000xf32, #tpu.memory_space<hbm>> -> memref<32x128xf32, #tpu.memory_space<hbm>>
      %dma_wait3A_440 = arith.constant 0 : i32
      %dma_wait3A_441 = arith.constant 0 : i32
      %dma_wait3A_442 = tpu.memref_slice %arg6[%dma_wait3A_433, %dma_wait3A_440, %dma_wait3A_441] : memref<16x32x128xf32, #tpu.memory_space<vmem>> -> memref<1x32x128xf32, #tpu.memory_space<vmem>>
      %dma_wait3A_443 = tpu.memref_squeeze %dma_wait3A_442 : memref<1x32x128xf32, #tpu.memory_space<vmem>> -> memref<32x128xf32, #tpu.memory_space<vmem>>
      %dma_wait3A_444 = arith.constant 0 : i32
      %dma_wait3A_445 = tpu.memref_slice %arg3[%dma_wait3A_444, %multiple_of3A_176] : memref<32x1000000xf32, #tpu.memory_space<hbm>> -> memref<32x128xf32, #tpu.memory_space<hbm>>
      tpu.wait_dma2 semaphore(%arg8 : memref<!tpu.dma_semaphore, #tpu.memory_space<semaphore_mem>>) src(%dma_wait3A_445 : memref<32x128xf32, #tpu.memory_space<hbm>>) dst(%dma_wait3A_443 : memref<32x128xf32, #tpu.memory_space<vmem>>)
      %dma_wait3A_446 = arith.constant 9 : i32
      %dma_wait3A_447 = arith.constant 0 : i32
      %dma_wait3A_448 = arith.constant 0 : i32
      %dma_wait3A_449 = tpu.memref_slice %arg6[%dma_wait3A_446, %dma_wait3A_447, %dma_wait3A_448] : memref<16x32x128xf32, #tpu.memory_space<vmem>> -> memref<1x32x128xf32, #tpu.memory_space<vmem>>
      %dma_wait3A_450 = tpu.memref_squeeze %dma_wait3A_449 : memref<1x32x128xf32, #tpu.memory_space<vmem>> -> memref<32x128xf32, #tpu.memory_space<vmem>>
      %dma_wait3A_451 = arith.constant 0 : i32
      %dma_wait3A_452 = tpu.memref_slice %arg3[%dma_wait3A_451, %multiple_of3A_196] : memref<32x1000000xf32, #tpu.memory_space<hbm>> -> memref<32x128xf32, #tpu.memory_space<hbm>>
      %dma_wait3A_453 = arith.constant 0 : i32
      %dma_wait3A_454 = arith.constant 0 : i32
      %dma_wait3A_455 = tpu.memref_slice %arg6[%dma_wait3A_446, %dma_wait3A_453, %dma_wait3A_454] : memref<16x32x128xf32, #tpu.memory_space<vmem>> -> memref<1x32x128xf32, #tpu.memory_space<vmem>>
      %dma_wait3A_456 = tpu.memref_squeeze %dma_wait3A_455 : memref<1x32x128xf32, #tpu.memory_space<vmem>> -> memref<32x128xf32, #tpu.memory_space<vmem>>
      %dma_wait3A_457 = arith.constant 0 : i32
      %dma_wait3A_458 = tpu.memref_slice %arg3[%dma_wait3A_457, %multiple_of3A_196] : memref<32x1000000xf32, #tpu.memory_space<hbm>> -> memref<32x128xf32, #tpu.memory_space<hbm>>
      tpu.wait_dma2 semaphore(%arg8 : memref<!tpu.dma_semaphore, #tpu.memory_space<semaphore_mem>>) src(%dma_wait3A_458 : memref<32x128xf32, #tpu.memory_space<hbm>>) dst(%dma_wait3A_456 : memref<32x128xf32, #tpu.memory_space<vmem>>)
      %dma_wait3A_459 = arith.constant 10 : i32
      %dma_wait3A_460 = arith.constant 0 : i32
      %dma_wait3A_461 = arith.constant 0 : i32
      %dma_wait3A_462 = tpu.memref_slice %arg6[%dma_wait3A_459, %dma_wait3A_460, %dma_wait3A_461] : memref<16x32x128xf32, #tpu.memory_space<vmem>> -> memref<1x32x128xf32, #tpu.memory_space<vmem>>
      %dma_wait3A_463 = tpu.memref_squeeze %dma_wait3A_462 : memref<1x32x128xf32, #tpu.memory_space<vmem>> -> memref<32x128xf32, #tpu.memory_space<vmem>>
      %dma_wait3A_464 = arith.constant 0 : i32
      %dma_wait3A_465 = tpu.memref_slice %arg3[%dma_wait3A_464, %multiple_of3A_216] : memref<32x1000000xf32, #tpu.memory_space<hbm>> -> memref<32x128xf32, #tpu.memory_space<hbm>>
      %dma_wait3A_466 = arith.constant 0 : i32
      %dma_wait3A_467 = arith.constant 0 : i32
      %dma_wait3A_468 = tpu.memref_slice %arg6[%dma_wait3A_459, %dma_wait3A_466, %dma_wait3A_467] : memref<16x32x128xf32, #tpu.memory_space<vmem>> -> memref<1x32x128xf32, #tpu.memory_space<vmem>>
      %dma_wait3A_469 = tpu.memref_squeeze %dma_wait3A_468 : memref<1x32x128xf32, #tpu.memory_space<vmem>> -> memref<32x128xf32, #tpu.memory_space<vmem>>
      %dma_wait3A_470 = arith.constant 0 : i32
      %dma_wait3A_471 = tpu.memref_slice %arg3[%dma_wait3A_470, %multiple_of3A_216] : memref<32x1000000xf32, #tpu.memory_space<hbm>> -> memref<32x128xf32, #tpu.memory_space<hbm>>
      tpu.wait_dma2 semaphore(%arg8 : memref<!tpu.dma_semaphore, #tpu.memory_space<semaphore_mem>>) src(%dma_wait3A_471 : memref<32x128xf32, #tpu.memory_space<hbm>>) dst(%dma_wait3A_469 : memref<32x128xf32, #tpu.memory_space<vmem>>)
      %dma_wait3A_472 = arith.constant 11 : i32
      %dma_wait3A_473 = arith.constant 0 : i32
      %dma_wait3A_474 = arith.constant 0 : i32
      %dma_wait3A_475 = tpu.memref_slice %arg6[%dma_wait3A_472, %dma_wait3A_473, %dma_wait3A_474] : memref<16x32x128xf32, #tpu.memory_space<vmem>> -> memref<1x32x128xf32, #tpu.memory_space<vmem>>
      %dma_wait3A_476 = tpu.memref_squeeze %dma_wait3A_475 : memref<1x32x128xf32, #tpu.memory_space<vmem>> -> memref<32x128xf32, #tpu.memory_space<vmem>>
      %dma_wait3A_477 = arith.constant 0 : i32
      %dma_wait3A_478 = tpu.memref_slice %arg3[%dma_wait3A_477, %multiple_of3A_236] : memref<32x1000000xf32, #tpu.memory_space<hbm>> -> memref<32x128xf32, #tpu.memory_space<hbm>>
      %dma_wait3A_479 = arith.constant 0 : i32
      %dma_wait3A_480 = arith.constant 0 : i32
      %dma_wait3A_481 = tpu.memref_slice %arg6[%dma_wait3A_472, %dma_wait3A_479, %dma_wait3A_480] : memref<16x32x128xf32, #tpu.memory_space<vmem>> -> memref<1x32x128xf32, #tpu.memory_space<vmem>>
      %dma_wait3A_482 = tpu.memref_squeeze %dma_wait3A_481 : memref<1x32x128xf32, #tpu.memory_space<vmem>> -> memref<32x128xf32, #tpu.memory_space<vmem>>
      %dma_wait3A_483 = arith.constant 0 : i32
      %dma_wait3A_484 = tpu.memref_slice %arg3[%dma_wait3A_483, %multiple_of3A_236] : memref<32x1000000xf32, #tpu.memory_space<hbm>> -> memref<32x128xf32, #tpu.memory_space<hbm>>
      tpu.wait_dma2 semaphore(%arg8 : memref<!tpu.dma_semaphore, #tpu.memory_space<semaphore_mem>>) src(%dma_wait3A_484 : memref<32x128xf32, #tpu.memory_space<hbm>>) dst(%dma_wait3A_482 : memref<32x128xf32, #tpu.memory_space<vmem>>)
      %dma_wait3A_485 = arith.constant 12 : i32
      %dma_wait3A_486 = arith.constant 0 : i32
      %dma_wait3A_487 = arith.constant 0 : i32
      %dma_wait3A_488 = tpu.memref_slice %arg6[%dma_wait3A_485, %dma_wait3A_486, %dma_wait3A_487] : memref<16x32x128xf32, #tpu.memory_space<vmem>> -> memref<1x32x128xf32, #tpu.memory_space<vmem>>
      %dma_wait3A_489 = tpu.memref_squeeze %dma_wait3A_488 : memref<1x32x128xf32, #tpu.memory_space<vmem>> -> memref<32x128xf32, #tpu.memory_space<vmem>>
      %dma_wait3A_490 = arith.constant 0 : i32
      %dma_wait3A_491 = tpu.memref_slice %arg3[%dma_wait3A_490, %multiple_of3A_256] : memref<32x1000000xf32, #tpu.memory_space<hbm>> -> memref<32x128xf32, #tpu.memory_space<hbm>>
      %dma_wait3A_492 = arith.constant 0 : i32
      %dma_wait3A_493 = arith.constant 0 : i32
      %dma_wait3A_494 = tpu.memref_slice %arg6[%dma_wait3A_485, %dma_wait3A_492, %dma_wait3A_493] : memref<16x32x128xf32, #tpu.memory_space<vmem>> -> memref<1x32x128xf32, #tpu.memory_space<vmem>>
      %dma_wait3A_495 = tpu.memref_squeeze %dma_wait3A_494 : memref<1x32x128xf32, #tpu.memory_space<vmem>> -> memref<32x128xf32, #tpu.memory_space<vmem>>
      %dma_wait3A_496 = arith.constant 0 : i32
      %dma_wait3A_497 = tpu.memref_slice %arg3[%dma_wait3A_496, %multiple_of3A_256] : memref<32x1000000xf32, #tpu.memory_space<hbm>> -> memref<32x128xf32, #tpu.memory_space<hbm>>
      tpu.wait_dma2 semaphore(%arg8 : memref<!tpu.dma_semaphore, #tpu.memory_space<semaphore_mem>>) src(%dma_wait3A_497 : memref<32x128xf32, #tpu.memory_space<hbm>>) dst(%dma_wait3A_495 : memref<32x128xf32, #tpu.memory_space<vmem>>)
      %dma_wait3A_498 = arith.constant 13 : i32
      %dma_wait3A_499 = arith.constant 0 : i32
      %dma_wait3A_500 = arith.constant 0 : i32
      %dma_wait3A_501 = tpu.memref_slice %arg6[%dma_wait3A_498, %dma_wait3A_499, %dma_wait3A_500] : memref<16x32x128xf32, #tpu.memory_space<vmem>> -> memref<1x32x128xf32, #tpu.memory_space<vmem>>
      %dma_wait3A_502 = tpu.memref_squeeze %dma_wait3A_501 : memref<1x32x128xf32, #tpu.memory_space<vmem>> -> memref<32x128xf32, #tpu.memory_space<vmem>>
      %dma_wait3A_503 = arith.constant 0 : i32
      %dma_wait3A_504 = tpu.memref_slice %arg3[%dma_wait3A_503, %multiple_of3A_276] : memref<32x1000000xf32, #tpu.memory_space<hbm>> -> memref<32x128xf32, #tpu.memory_space<hbm>>
      %dma_wait3A_505 = arith.constant 0 : i32
      %dma_wait3A_506 = arith.constant 0 : i32
      %dma_wait3A_507 = tpu.memref_slice %arg6[%dma_wait3A_498, %dma_wait3A_505, %dma_wait3A_506] : memref<16x32x128xf32, #tpu.memory_space<vmem>> -> memref<1x32x128xf32, #tpu.memory_space<vmem>>
      %dma_wait3A_508 = tpu.memref_squeeze %dma_wait3A_507 : memref<1x32x128xf32, #tpu.memory_space<vmem>> -> memref<32x128xf32, #tpu.memory_space<vmem>>
      %dma_wait3A_509 = arith.constant 0 : i32
      %dma_wait3A_510 = tpu.memref_slice %arg3[%dma_wait3A_509, %multiple_of3A_276] : memref<32x1000000xf32, #tpu.memory_space<hbm>> -> memref<32x128xf32, #tpu.memory_space<hbm>>
      tpu.wait_dma2 semaphore(%arg8 : memref<!tpu.dma_semaphore, #tpu.memory_space<semaphore_mem>>) src(%dma_wait3A_510 : memref<32x128xf32, #tpu.memory_space<hbm>>) dst(%dma_wait3A_508 : memref<32x128xf32, #tpu.memory_space<vmem>>)
      %dma_wait3A_511 = arith.constant 14 : i32
      %dma_wait3A_512 = arith.constant 0 : i32
      %dma_wait3A_513 = arith.constant 0 : i32
      %dma_wait3A_514 = tpu.memref_slice %arg6[%dma_wait3A_511, %dma_wait3A_512, %dma_wait3A_513] : memref<16x32x128xf32, #tpu.memory_space<vmem>> -> memref<1x32x128xf32, #tpu.memory_space<vmem>>
      %dma_wait3A_515 = tpu.memref_squeeze %dma_wait3A_514 : memref<1x32x128xf32, #tpu.memory_space<vmem>> -> memref<32x128xf32, #tpu.memory_space<vmem>>
      %dma_wait3A_516 = arith.constant 0 : i32
      %dma_wait3A_517 = tpu.memref_slice %arg3[%dma_wait3A_516, %multiple_of3A_296] : memref<32x1000000xf32, #tpu.memory_space<hbm>> -> memref<32x128xf32, #tpu.memory_space<hbm>>
      %dma_wait3A_518 = arith.constant 0 : i32
      %dma_wait3A_519 = arith.constant 0 : i32
      %dma_wait3A_520 = tpu.memref_slice %arg6[%dma_wait3A_511, %dma_wait3A_518, %dma_wait3A_519] : memref<16x32x128xf32, #tpu.memory_space<vmem>> -> memref<1x32x128xf32, #tpu.memory_space<vmem>>
      %dma_wait3A_521 = tpu.memref_squeeze %dma_wait3A_520 : memref<1x32x128xf32, #tpu.memory_space<vmem>> -> memref<32x128xf32, #tpu.memory_space<vmem>>
      %dma_wait3A_522 = arith.constant 0 : i32
      %dma_wait3A_523 = tpu.memref_slice %arg3[%dma_wait3A_522, %multiple_of3A_296] : memref<32x1000000xf32, #tpu.memory_space<hbm>> -> memref<32x128xf32, #tpu.memory_space<hbm>>
      tpu.wait_dma2 semaphore(%arg8 : memref<!tpu.dma_semaphore, #tpu.memory_space<semaphore_mem>>) src(%dma_wait3A_523 : memref<32x128xf32, #tpu.memory_space<hbm>>) dst(%dma_wait3A_521 : memref<32x128xf32, #tpu.memory_space<vmem>>)
      %dma_wait3A_524 = arith.constant 15 : i32
      %dma_wait3A_525 = arith.constant 0 : i32
      %dma_wait3A_526 = arith.constant 0 : i32
      %dma_wait3A_527 = tpu.memref_slice %arg6[%dma_wait3A_524, %dma_wait3A_525, %dma_wait3A_526] : memref<16x32x128xf32, #tpu.memory_space<vmem>> -> memref<1x32x128xf32, #tpu.memory_space<vmem>>
      %dma_wait3A_528 = tpu.memref_squeeze %dma_wait3A_527 : memref<1x32x128xf32, #tpu.memory_space<vmem>> -> memref<32x128xf32, #tpu.memory_space<vmem>>
      %dma_wait3A_529 = arith.constant 0 : i32
      %dma_wait3A_530 = tpu.memref_slice %arg3[%dma_wait3A_529, %multiple_of3A_316] : memref<32x1000000xf32, #tpu.memory_space<hbm>> -> memref<32x128xf32, #tpu.memory_space<hbm>>
      %dma_wait3A_531 = arith.constant 0 : i32
      %dma_wait3A_532 = arith.constant 0 : i32
      %dma_wait3A_533 = tpu.memref_slice %arg6[%dma_wait3A_524, %dma_wait3A_531, %dma_wait3A_532] : memref<16x32x128xf32, #tpu.memory_space<vmem>> -> memref<1x32x128xf32, #tpu.memory_space<vmem>>
      %dma_wait3A_534 = tpu.memref_squeeze %dma_wait3A_533 : memref<1x32x128xf32, #tpu.memory_space<vmem>> -> memref<32x128xf32, #tpu.memory_space<vmem>>
      %dma_wait3A_535 = arith.constant 0 : i32
      %dma_wait3A_536 = tpu.memref_slice %arg3[%dma_wait3A_535, %multiple_of3A_316] : memref<32x1000000xf32, #tpu.memory_space<hbm>> -> memref<32x128xf32, #tpu.memory_space<hbm>>
      tpu.wait_dma2 semaphore(%arg8 : memref<!tpu.dma_semaphore, #tpu.memory_space<semaphore_mem>>) src(%dma_wait3A_536 : memref<32x128xf32, #tpu.memory_space<hbm>>) dst(%dma_wait3A_534 : memref<32x128xf32, #tpu.memory_space<vmem>>)
      %and3A = arith.constant 127 : i32
      %and3A_537 = vector.broadcast %and3A : i32 to vector<16xi32>
      %and3A_538 = arith.andi %get3A_14, %and3A_537 : vector<16xi32>
      %broadcast_in_dim3A = arith.constant 0 : i32
      %broadcast_in_dim3A_539 = vector.broadcast %broadcast_in_dim3A : i32 to vector<16xi32>
      %gather3A = tpu.vector_load_idx %arg6[%iota3A, %broadcast_in_dim3A_539, %and3A_538] : memref<16x32x128xf32, #tpu.memory_space<vmem>>[vector<16xi32>, vector<16xi32>, vector<16xi32>], vector<16xf32>,
      %swap3A = arith.constant 0 : i32
      %swap3A_540 = arith.index_cast %swap3A : i32 to index
      %swap3A_541 = arith.index_cast %mul3A_13 : i32 to index
      %swap3A_542 = tpu.vector_load %arg7[%swap3A_540, %swap3A_541] {strides = array<i32>} : memref<32x512xf32, #tpu.memory_space<vmem>>, vector<16xf32>,
      tpu.vector_store %arg7[%swap3A_540, %swap3A_541], %gather3A {strides = array<i32>} : memref<32x512xf32, #tpu.memory_space<vmem>>, vector<16xf32>,
      %broadcast_in_dim3A_543 = arith.constant 1 : i32
      %broadcast_in_dim3A_544 = vector.broadcast %broadcast_in_dim3A_543 : i32 to vector<16xi32>
      %gather3A_545 = tpu.vector_load_idx %arg6[%iota3A, %broadcast_in_dim3A_544, %and3A_538] : memref<16x32x128xf32, #tpu.memory_space<vmem>>[vector<16xi32>, vector<16xi32>, vector<16xi32>], vector<16xf32>,
      %swap3A_546 = arith.constant 1 : i32
      %swap3A_547 = arith.index_cast %swap3A_546 : i32 to index
      %swap3A_548 = arith.index_cast %mul3A_13 : i32 to index
      %swap3A_549 = tpu.vector_load %arg7[%swap3A_547, %swap3A_548] {strides = array<i32>} : memref<32x512xf32, #tpu.memory_space<vmem>>, vector<16xf32>,
      tpu.vector_store %arg7[%swap3A_547, %swap3A_548], %gather3A_545 {strides = array<i32>} : memref<32x512xf32, #tpu.memory_space<vmem>>, vector<16xf32>,
      %broadcast_in_dim3A_550 = arith.constant 2 : i32
      %broadcast_in_dim3A_551 = vector.broadcast %broadcast_in_dim3A_550 : i32 to vector<16xi32>
      %gather3A_552 = tpu.vector_load_idx %arg6[%iota3A, %broadcast_in_dim3A_551, %and3A_538] : memref<16x32x128xf32, #tpu.memory_space<vmem>>[vector<16xi32>, vector<16xi32>, vector<16xi32>], vector<16xf32>,
      %swap3A_553 = arith.constant 2 : i32
      %swap3A_554 = arith.index_cast %swap3A_553 : i32 to index
      %swap3A_555 = arith.index_cast %mul3A_13 : i32 to index
      %swap3A_556 = tpu.vector_load %arg7[%swap3A_554, %swap3A_555] {strides = array<i32>} : memref<32x512xf32, #tpu.memory_space<vmem>>, vector<16xf32>,
      tpu.vector_store %arg7[%swap3A_554, %swap3A_555], %gather3A_552 {strides = array<i32>} : memref<32x512xf32, #tpu.memory_space<vmem>>, vector<16xf32>,
      %broadcast_in_dim3A_557 = arith.constant 3 : i32
      %broadcast_in_dim3A_558 = vector.broadcast %broadcast_in_dim3A_557 : i32 to vector<16xi32>
      %gather3A_559 = tpu.vector_load_idx %arg6[%iota3A, %broadcast_in_dim3A_558, %and3A_538] : memref<16x32x128xf32, #tpu.memory_space<vmem>>[vector<16xi32>, vector<16xi32>, vector<16xi32>], vector<16xf32>,
      %swap3A_560 = arith.constant 3 : i32
      %swap3A_561 = arith.index_cast %swap3A_560 : i32 to index
      %swap3A_562 = arith.index_cast %mul3A_13 : i32 to index
      %swap3A_563 = tpu.vector_load %arg7[%swap3A_561, %swap3A_562] {strides = array<i32>} : memref<32x512xf32, #tpu.memory_space<vmem>>, vector<16xf32>,
      tpu.vector_store %arg7[%swap3A_561, %swap3A_562], %gather3A_559 {strides = array<i32>} : memref<32x512xf32, #tpu.memory_space<vmem>>, vector<16xf32>,
      %broadcast_in_dim3A_564 = arith.constant 4 : i32
      %broadcast_in_dim3A_565 = vector.broadcast %broadcast_in_dim3A_564 : i32 to vector<16xi32>
      %gather3A_566 = tpu.vector_load_idx %arg6[%iota3A, %broadcast_in_dim3A_565, %and3A_538] : memref<16x32x128xf32, #tpu.memory_space<vmem>>[vector<16xi32>, vector<16xi32>, vector<16xi32>], vector<16xf32>,
      %swap3A_567 = arith.constant 4 : i32
      %swap3A_568 = arith.index_cast %swap3A_567 : i32 to index
      %swap3A_569 = arith.index_cast %mul3A_13 : i32 to index
      %swap3A_570 = tpu.vector_load %arg7[%swap3A_568, %swap3A_569] {strides = array<i32>} : memref<32x512xf32, #tpu.memory_space<vmem>>, vector<16xf32>,
      tpu.vector_store %arg7[%swap3A_568, %swap3A_569], %gather3A_566 {strides = array<i32>} : memref<32x512xf32, #tpu.memory_space<vmem>>, vector<16xf32>,
      %broadcast_in_dim3A_571 = arith.constant 5 : i32
      %broadcast_in_dim3A_572 = vector.broadcast %broadcast_in_dim3A_571 : i32 to vector<16xi32>
      %gather3A_573 = tpu.vector_load_idx %arg6[%iota3A, %broadcast_in_dim3A_572, %and3A_538] : memref<16x32x128xf32, #tpu.memory_space<vmem>>[vector<16xi32>, vector<16xi32>, vector<16xi32>], vector<16xf32>,
      %swap3A_574 = arith.constant 5 : i32
      %swap3A_575 = arith.index_cast %swap3A_574 : i32 to index
      %swap3A_576 = arith.index_cast %mul3A_13 : i32 to index
      %swap3A_577 = tpu.vector_load %arg7[%swap3A_575, %swap3A_576] {strides = array<i32>} : memref<32x512xf32, #tpu.memory_space<vmem>>, vector<16xf32>,
      tpu.vector_store %arg7[%swap3A_575, %swap3A_576], %gather3A_573 {strides = array<i32>} : memref<32x512xf32, #tpu.memory_space<vmem>>, vector<16xf32>,
      %broadcast_in_dim3A_578 = arith.constant 6 : i32
      %broadcast_in_dim3A_579 = vector.broadcast %broadcast_in_dim3A_578 : i32 to vector<16xi32>
      %gather3A_580 = tpu.vector_load_idx %arg6[%iota3A, %broadcast_in_dim3A_579, %and3A_538] : memref<16x32x128xf32, #tpu.memory_space<vmem>>[vector<16xi32>, vector<16xi32>, vector<16xi32>], vector<16xf32>,
      %swap3A_581 = arith.constant 6 : i32
      %swap3A_582 = arith.index_cast %swap3A_581 : i32 to index
      %swap3A_583 = arith.index_cast %mul3A_13 : i32 to index
      %swap3A_584 = tpu.vector_load %arg7[%swap3A_582, %swap3A_583] {strides = array<i32>} : memref<32x512xf32, #tpu.memory_space<vmem>>, vector<16xf32>,
      tpu.vector_store %arg7[%swap3A_582, %swap3A_583], %gather3A_580 {strides = array<i32>} : memref<32x512xf32, #tpu.memory_space<vmem>>, vector<16xf32>,
      %broadcast_in_dim3A_585 = arith.constant 7 : i32
      %broadcast_in_dim3A_586 = vector.broadcast %broadcast_in_dim3A_585 : i32 to vector<16xi32>
      %gather3A_587 = tpu.vector_load_idx %arg6[%iota3A, %broadcast_in_dim3A_586, %and3A_538] : memref<16x32x128xf32, #tpu.memory_space<vmem>>[vector<16xi32>, vector<16xi32>, vector<16xi32>], vector<16xf32>,
      %swap3A_588 = arith.constant 7 : i32
      %swap3A_589 = arith.index_cast %swap3A_588 : i32 to index
      %swap3A_590 = arith.index_cast %mul3A_13 : i32 to index
      %swap3A_591 = tpu.vector_load %arg7[%swap3A_589, %swap3A_590] {strides = array<i32>} : memref<32x512xf32, #tpu.memory_space<vmem>>, vector<16xf32>,
      tpu.vector_store %arg7[%swap3A_589, %swap3A_590], %gather3A_587 {strides = array<i32>} : memref<32x512xf32, #tpu.memory_space<vmem>>, vector<16xf32>,
      %broadcast_in_dim3A_592 = arith.constant 8 : i32
      %broadcast_in_dim3A_593 = vector.broadcast %broadcast_in_dim3A_592 : i32 to vector<16xi32>
      %gather3A_594 = tpu.vector_load_idx %arg6[%iota3A, %broadcast_in_dim3A_593, %and3A_538] : memref<16x32x128xf32, #tpu.memory_space<vmem>>[vector<16xi32>, vector<16xi32>, vector<16xi32>], vector<16xf32>,
      %swap3A_595 = arith.constant 8 : i32
      %swap3A_596 = arith.index_cast %swap3A_595 : i32 to index
      %swap3A_597 = arith.index_cast %mul3A_13 : i32 to index
      %swap3A_598 = tpu.vector_load %arg7[%swap3A_596, %swap3A_597] {strides = array<i32>} : memref<32x512xf32, #tpu.memory_space<vmem>>, vector<16xf32>,
      tpu.vector_store %arg7[%swap3A_596, %swap3A_597], %gather3A_594 {strides = array<i32>} : memref<32x512xf32, #tpu.memory_space<vmem>>, vector<16xf32>,
      %broadcast_in_dim3A_599 = arith.constant 9 : i32
      %broadcast_in_dim3A_600 = vector.broadcast %broadcast_in_dim3A_599 : i32 to vector<16xi32>
      %gather3A_601 = tpu.vector_load_idx %arg6[%iota3A, %broadcast_in_dim3A_600, %and3A_538] : memref<16x32x128xf32, #tpu.memory_space<vmem>>[vector<16xi32>, vector<16xi32>, vector<16xi32>], vector<16xf32>,
      %swap3A_602 = arith.constant 9 : i32
      %swap3A_603 = arith.index_cast %swap3A_602 : i32 to index
      %swap3A_604 = arith.index_cast %mul3A_13 : i32 to index
      %swap3A_605 = tpu.vector_load %arg7[%swap3A_603, %swap3A_604] {strides = array<i32>} : memref<32x512xf32, #tpu.memory_space<vmem>>, vector<16xf32>,
      tpu.vector_store %arg7[%swap3A_603, %swap3A_604], %gather3A_601 {strides = array<i32>} : memref<32x512xf32, #tpu.memory_space<vmem>>, vector<16xf32>,
      %broadcast_in_dim3A_606 = arith.constant 10 : i32
      %broadcast_in_dim3A_607 = vector.broadcast %broadcast_in_dim3A_606 : i32 to vector<16xi32>
      %gather3A_608 = tpu.vector_load_idx %arg6[%iota3A, %broadcast_in_dim3A_607, %and3A_538] : memref<16x32x128xf32, #tpu.memory_space<vmem>>[vector<16xi32>, vector<16xi32>, vector<16xi32>], vector<16xf32>,
      %swap3A_609 = arith.constant 10 : i32
      %swap3A_610 = arith.index_cast %swap3A_609 : i32 to index
      %swap3A_611 = arith.index_cast %mul3A_13 : i32 to index
      %swap3A_612 = tpu.vector_load %arg7[%swap3A_610, %swap3A_611] {strides = array<i32>} : memref<32x512xf32, #tpu.memory_space<vmem>>, vector<16xf32>,
      tpu.vector_store %arg7[%swap3A_610, %swap3A_611], %gather3A_608 {strides = array<i32>} : memref<32x512xf32, #tpu.memory_space<vmem>>, vector<16xf32>,
      %broadcast_in_dim3A_613 = arith.constant 11 : i32
      %broadcast_in_dim3A_614 = vector.broadcast %broadcast_in_dim3A_613 : i32 to vector<16xi32>
      %gather3A_615 = tpu.vector_load_idx %arg6[%iota3A, %broadcast_in_dim3A_614, %and3A_538] : memref<16x32x128xf32, #tpu.memory_space<vmem>>[vector<16xi32>, vector<16xi32>, vector<16xi32>], vector<16xf32>,
      %swap3A_616 = arith.constant 11 : i32
      %swap3A_617 = arith.index_cast %swap3A_616 : i32 to index
      %swap3A_618 = arith.index_cast %mul3A_13 : i32 to index
      %swap3A_619 = tpu.vector_load %arg7[%swap3A_617, %swap3A_618] {strides = array<i32>} : memref<32x512xf32, #tpu.memory_space<vmem>>, vector<16xf32>,
      tpu.vector_store %arg7[%swap3A_617, %swap3A_618], %gather3A_615 {strides = array<i32>} : memref<32x512xf32, #tpu.memory_space<vmem>>, vector<16xf32>,
      %broadcast_in_dim3A_620 = arith.constant 12 : i32
      %broadcast_in_dim3A_621 = vector.broadcast %broadcast_in_dim3A_620 : i32 to vector<16xi32>
      %gather3A_622 = tpu.vector_load_idx %arg6[%iota3A, %broadcast_in_dim3A_621, %and3A_538] : memref<16x32x128xf32, #tpu.memory_space<vmem>>[vector<16xi32>, vector<16xi32>, vector<16xi32>], vector<16xf32>,
      %swap3A_623 = arith.constant 12 : i32
      %swap3A_624 = arith.index_cast %swap3A_623 : i32 to index
      %swap3A_625 = arith.index_cast %mul3A_13 : i32 to index
      %swap3A_626 = tpu.vector_load %arg7[%swap3A_624, %swap3A_625] {strides = array<i32>} : memref<32x512xf32, #tpu.memory_space<vmem>>, vector<16xf32>,
      tpu.vector_store %arg7[%swap3A_624, %swap3A_625], %gather3A_622 {strides = array<i32>} : memref<32x512xf32, #tpu.memory_space<vmem>>, vector<16xf32>,
      %broadcast_in_dim3A_627 = arith.constant 13 : i32
      %broadcast_in_dim3A_628 = vector.broadcast %broadcast_in_dim3A_627 : i32 to vector<16xi32>
      %gather3A_629 = tpu.vector_load_idx %arg6[%iota3A, %broadcast_in_dim3A_628, %and3A_538] : memref<16x32x128xf32, #tpu.memory_space<vmem>>[vector<16xi32>, vector<16xi32>, vector<16xi32>], vector<16xf32>,
      %swap3A_630 = arith.constant 13 : i32
      %swap3A_631 = arith.index_cast %swap3A_630 : i32 to index
      %swap3A_632 = arith.index_cast %mul3A_13 : i32 to index
      %swap3A_633 = tpu.vector_load %arg7[%swap3A_631, %swap3A_632] {strides = array<i32>} : memref<32x512xf32, #tpu.memory_space<vmem>>, vector<16xf32>,
      tpu.vector_store %arg7[%swap3A_631, %swap3A_632], %gather3A_629 {strides = array<i32>} : memref<32x512xf32, #tpu.memory_space<vmem>>, vector<16xf32>,
      %broadcast_in_dim3A_634 = arith.constant 14 : i32
      %broadcast_in_dim3A_635 = vector.broadcast %broadcast_in_dim3A_634 : i32 to vector<16xi32>
      %gather3A_636 = tpu.vector_load_idx %arg6[%iota3A, %broadcast_in_dim3A_635, %and3A_538] : memref<16x32x128xf32, #tpu.memory_space<vmem>>[vector<16xi32>, vector<16xi32>, vector<16xi32>], vector<16xf32>,
      %swap3A_637 = arith.constant 14 : i32
      %swap3A_638 = arith.index_cast %swap3A_637 : i32 to index
      %swap3A_639 = arith.index_cast %mul3A_13 : i32 to index
      %swap3A_640 = tpu.vector_load %arg7[%swap3A_638, %swap3A_639] {strides = array<i32>} : memref<32x512xf32, #tpu.memory_space<vmem>>, vector<16xf32>,
      tpu.vector_store %arg7[%swap3A_638, %swap3A_639], %gather3A_636 {strides = array<i32>} : memref<32x512xf32, #tpu.memory_space<vmem>>, vector<16xf32>,
      %broadcast_in_dim3A_641 = arith.constant 15 : i32
      %broadcast_in_dim3A_642 = vector.broadcast %broadcast_in_dim3A_641 : i32 to vector<16xi32>
      %gather3A_643 = tpu.vector_load_idx %arg6[%iota3A, %broadcast_in_dim3A_642, %and3A_538] : memref<16x32x128xf32, #tpu.memory_space<vmem>>[vector<16xi32>, vector<16xi32>, vector<16xi32>], vector<16xf32>,
      %swap3A_644 = arith.constant 15 : i32
      %swap3A_645 = arith.index_cast %swap3A_644 : i32 to index
      %swap3A_646 = arith.index_cast %mul3A_13 : i32 to index
      %swap3A_647 = tpu.vector_load %arg7[%swap3A_645, %swap3A_646] {strides = array<i32>} : memref<32x512xf32, #tpu.memory_space<vmem>>, vector<16xf32>,
      tpu.vector_store %arg7[%swap3A_645, %swap3A_646], %gather3A_643 {strides = array<i32>} : memref<32x512xf32, #tpu.memory_space<vmem>>, vector<16xf32>,
      %broadcast_in_dim3A_648 = arith.constant 16 : i32
      %broadcast_in_dim3A_649 = vector.broadcast %broadcast_in_dim3A_648 : i32 to vector<16xi32>
      %gather3A_650 = tpu.vector_load_idx %arg6[%iota3A, %broadcast_in_dim3A_649, %and3A_538] : memref<16x32x128xf32, #tpu.memory_space<vmem>>[vector<16xi32>, vector<16xi32>, vector<16xi32>], vector<16xf32>,
      %swap3A_651 = arith.constant 16 : i32
      %swap3A_652 = arith.index_cast %swap3A_651 : i32 to index
      %swap3A_653 = arith.index_cast %mul3A_13 : i32 to index
      %swap3A_654 = tpu.vector_load %arg7[%swap3A_652, %swap3A_653] {strides = array<i32>} : memref<32x512xf32, #tpu.memory_space<vmem>>, vector<16xf32>,
      tpu.vector_store %arg7[%swap3A_652, %swap3A_653], %gather3A_650 {strides = array<i32>} : memref<32x512xf32, #tpu.memory_space<vmem>>, vector<16xf32>,
      %broadcast_in_dim3A_655 = arith.constant 17 : i32
      %broadcast_in_dim3A_656 = vector.broadcast %broadcast_in_dim3A_655 : i32 to vector<16xi32>
      %gather3A_657 = tpu.vector_load_idx %arg6[%iota3A, %broadcast_in_dim3A_656, %and3A_538] : memref<16x32x128xf32, #tpu.memory_space<vmem>>[vector<16xi32>, vector<16xi32>, vector<16xi32>], vector<16xf32>,
      %swap3A_658 = arith.constant 17 : i32
      %swap3A_659 = arith.index_cast %swap3A_658 : i32 to index
      %swap3A_660 = arith.index_cast %mul3A_13 : i32 to index
      %swap3A_661 = tpu.vector_load %arg7[%swap3A_659, %swap3A_660] {strides = array<i32>} : memref<32x512xf32, #tpu.memory_space<vmem>>, vector<16xf32>,
      tpu.vector_store %arg7[%swap3A_659, %swap3A_660], %gather3A_657 {strides = array<i32>} : memref<32x512xf32, #tpu.memory_space<vmem>>, vector<16xf32>,
      %broadcast_in_dim3A_662 = arith.constant 18 : i32
      %broadcast_in_dim3A_663 = vector.broadcast %broadcast_in_dim3A_662 : i32 to vector<16xi32>
      %gather3A_664 = tpu.vector_load_idx %arg6[%iota3A, %broadcast_in_dim3A_663, %and3A_538] : memref<16x32x128xf32, #tpu.memory_space<vmem>>[vector<16xi32>, vector<16xi32>, vector<16xi32>], vector<16xf32>,
      %swap3A_665 = arith.constant 18 : i32
      %swap3A_666 = arith.index_cast %swap3A_665 : i32 to index
      %swap3A_667 = arith.index_cast %mul3A_13 : i32 to index
      %swap3A_668 = tpu.vector_load %arg7[%swap3A_666, %swap3A_667] {strides = array<i32>} : memref<32x512xf32, #tpu.memory_space<vmem>>, vector<16xf32>,
      tpu.vector_store %arg7[%swap3A_666, %swap3A_667], %gather3A_664 {strides = array<i32>} : memref<32x512xf32, #tpu.memory_space<vmem>>, vector<16xf32>,
      %broadcast_in_dim3A_669 = arith.constant 19 : i32
      %broadcast_in_dim3A_670 = vector.broadcast %broadcast_in_dim3A_669 : i32 to vector<16xi32>
      %gather3A_671 = tpu.vector_load_idx %arg6[%iota3A, %broadcast_in_dim3A_670, %and3A_538] : memref<16x32x128xf32, #tpu.memory_space<vmem>>[vector<16xi32>, vector<16xi32>, vector<16xi32>], vector<16xf32>,
      %swap3A_672 = arith.constant 19 : i32
      %swap3A_673 = arith.index_cast %swap3A_672 : i32 to index
      %swap3A_674 = arith.index_cast %mul3A_13 : i32 to index
      %swap3A_675 = tpu.vector_load %arg7[%swap3A_673, %swap3A_674] {strides = array<i32>} : memref<32x512xf32, #tpu.memory_space<vmem>>, vector<16xf32>,
      tpu.vector_store %arg7[%swap3A_673, %swap3A_674], %gather3A_671 {strides = array<i32>} : memref<32x512xf32, #tpu.memory_space<vmem>>, vector<16xf32>,
      %broadcast_in_dim3A_676 = arith.constant 20 : i32
      %broadcast_in_dim3A_677 = vector.broadcast %broadcast_in_dim3A_676 : i32 to vector<16xi32>
      %gather3A_678 = tpu.vector_load_idx %arg6[%iota3A, %broadcast_in_dim3A_677, %and3A_538] : memref<16x32x128xf32, #tpu.memory_space<vmem>>[vector<16xi32>, vector<16xi32>, vector<16xi32>], vector<16xf32>,
      %swap3A_679 = arith.constant 20 : i32
      %swap3A_680 = arith.index_cast %swap3A_679 : i32 to index
      %swap3A_681 = arith.index_cast %mul3A_13 : i32 to index
      %swap3A_682 = tpu.vector_load %arg7[%swap3A_680, %swap3A_681] {strides = array<i32>} : memref<32x512xf32, #tpu.memory_space<vmem>>, vector<16xf32>,
      tpu.vector_store %arg7[%swap3A_680, %swap3A_681], %gather3A_678 {strides = array<i32>} : memref<32x512xf32, #tpu.memory_space<vmem>>, vector<16xf32>,
      %broadcast_in_dim3A_683 = arith.constant 21 : i32
      %broadcast_in_dim3A_684 = vector.broadcast %broadcast_in_dim3A_683 : i32 to vector<16xi32>
      %gather3A_685 = tpu.vector_load_idx %arg6[%iota3A, %broadcast_in_dim3A_684, %and3A_538] : memref<16x32x128xf32, #tpu.memory_space<vmem>>[vector<16xi32>, vector<16xi32>, vector<16xi32>], vector<16xf32>,
      %swap3A_686 = arith.constant 21 : i32
      %swap3A_687 = arith.index_cast %swap3A_686 : i32 to index
      %swap3A_688 = arith.index_cast %mul3A_13 : i32 to index
      %swap3A_689 = tpu.vector_load %arg7[%swap3A_687, %swap3A_688] {strides = array<i32>} : memref<32x512xf32, #tpu.memory_space<vmem>>, vector<16xf32>,
      tpu.vector_store %arg7[%swap3A_687, %swap3A_688], %gather3A_685 {strides = array<i32>} : memref<32x512xf32, #tpu.memory_space<vmem>>, vector<16xf32>,
      %broadcast_in_dim3A_690 = arith.constant 22 : i32
      %broadcast_in_dim3A_691 = vector.broadcast %broadcast_in_dim3A_690 : i32 to vector<16xi32>
      %gather3A_692 = tpu.vector_load_idx %arg6[%iota3A, %broadcast_in_dim3A_691, %and3A_538] : memref<16x32x128xf32, #tpu.memory_space<vmem>>[vector<16xi32>, vector<16xi32>, vector<16xi32>], vector<16xf32>,
      %swap3A_693 = arith.constant 22 : i32
      %swap3A_694 = arith.index_cast %swap3A_693 : i32 to index
      %swap3A_695 = arith.index_cast %mul3A_13 : i32 to index
      %swap3A_696 = tpu.vector_load %arg7[%swap3A_694, %swap3A_695] {strides = array<i32>} : memref<32x512xf32, #tpu.memory_space<vmem>>, vector<16xf32>,
      tpu.vector_store %arg7[%swap3A_694, %swap3A_695], %gather3A_692 {strides = array<i32>} : memref<32x512xf32, #tpu.memory_space<vmem>>, vector<16xf32>,
      %broadcast_in_dim3A_697 = arith.constant 23 : i32
      %broadcast_in_dim3A_698 = vector.broadcast %broadcast_in_dim3A_697 : i32 to vector<16xi32>
      %gather3A_699 = tpu.vector_load_idx %arg6[%iota3A, %broadcast_in_dim3A_698, %and3A_538] : memref<16x32x128xf32, #tpu.memory_space<vmem>>[vector<16xi32>, vector<16xi32>, vector<16xi32>], vector<16xf32>,
      %swap3A_700 = arith.constant 23 : i32
      %swap3A_701 = arith.index_cast %swap3A_700 : i32 to index
      %swap3A_702 = arith.index_cast %mul3A_13 : i32 to index
      %swap3A_703 = tpu.vector_load %arg7[%swap3A_701, %swap3A_702] {strides = array<i32>} : memref<32x512xf32, #tpu.memory_space<vmem>>, vector<16xf32>,
      tpu.vector_store %arg7[%swap3A_701, %swap3A_702], %gather3A_699 {strides = array<i32>} : memref<32x512xf32, #tpu.memory_space<vmem>>, vector<16xf32>,
      %broadcast_in_dim3A_704 = arith.constant 24 : i32
      %broadcast_in_dim3A_705 = vector.broadcast %broadcast_in_dim3A_704 : i32 to vector<16xi32>
      %gather3A_706 = tpu.vector_load_idx %arg6[%iota3A, %broadcast_in_dim3A_705, %and3A_538] : memref<16x32x128xf32, #tpu.memory_space<vmem>>[vector<16xi32>, vector<16xi32>, vector<16xi32>], vector<16xf32>,
      %swap3A_707 = arith.constant 24 : i32
      %swap3A_708 = arith.index_cast %swap3A_707 : i32 to index
      %swap3A_709 = arith.index_cast %mul3A_13 : i32 to index
      %swap3A_710 = tpu.vector_load %arg7[%swap3A_708, %swap3A_709] {strides = array<i32>} : memref<32x512xf32, #tpu.memory_space<vmem>>, vector<16xf32>,
      tpu.vector_store %arg7[%swap3A_708, %swap3A_709], %gather3A_706 {strides = array<i32>} : memref<32x512xf32, #tpu.memory_space<vmem>>, vector<16xf32>,
      %broadcast_in_dim3A_711 = arith.constant 25 : i32
      %broadcast_in_dim3A_712 = vector.broadcast %broadcast_in_dim3A_711 : i32 to vector<16xi32>
      %gather3A_713 = tpu.vector_load_idx %arg6[%iota3A, %broadcast_in_dim3A_712, %and3A_538] : memref<16x32x128xf32, #tpu.memory_space<vmem>>[vector<16xi32>, vector<16xi32>, vector<16xi32>], vector<16xf32>,
      %swap3A_714 = arith.constant 25 : i32
      %swap3A_715 = arith.index_cast %swap3A_714 : i32 to index
      %swap3A_716 = arith.index_cast %mul3A_13 : i32 to index
      %swap3A_717 = tpu.vector_load %arg7[%swap3A_715, %swap3A_716] {strides = array<i32>} : memref<32x512xf32, #tpu.memory_space<vmem>>, vector<16xf32>,
      tpu.vector_store %arg7[%swap3A_715, %swap3A_716], %gather3A_713 {strides = array<i32>} : memref<32x512xf32, #tpu.memory_space<vmem>>, vector<16xf32>,
      %broadcast_in_dim3A_718 = arith.constant 26 : i32
      %broadcast_in_dim3A_719 = vector.broadcast %broadcast_in_dim3A_718 : i32 to vector<16xi32>
      %gather3A_720 = tpu.vector_load_idx %arg6[%iota3A, %broadcast_in_dim3A_719, %and3A_538] : memref<16x32x128xf32, #tpu.memory_space<vmem>>[vector<16xi32>, vector<16xi32>, vector<16xi32>], vector<16xf32>,
      %swap3A_721 = arith.constant 26 : i32
      %swap3A_722 = arith.index_cast %swap3A_721 : i32 to index
      %swap3A_723 = arith.index_cast %mul3A_13 : i32 to index
      %swap3A_724 = tpu.vector_load %arg7[%swap3A_722, %swap3A_723] {strides = array<i32>} : memref<32x512xf32, #tpu.memory_space<vmem>>, vector<16xf32>,
      tpu.vector_store %arg7[%swap3A_722, %swap3A_723], %gather3A_720 {strides = array<i32>} : memref<32x512xf32, #tpu.memory_space<vmem>>, vector<16xf32>,
      %broadcast_in_dim3A_725 = arith.constant 27 : i32
      %broadcast_in_dim3A_726 = vector.broadcast %broadcast_in_dim3A_725 : i32 to vector<16xi32>
      %gather3A_727 = tpu.vector_load_idx %arg6[%iota3A, %broadcast_in_dim3A_726, %and3A_538] : memref<16x32x128xf32, #tpu.memory_space<vmem>>[vector<16xi32>, vector<16xi32>, vector<16xi32>], vector<16xf32>,
      %swap3A_728 = arith.constant 27 : i32
      %swap3A_729 = arith.index_cast %swap3A_728 : i32 to index
      %swap3A_730 = arith.index_cast %mul3A_13 : i32 to index
      %swap3A_731 = tpu.vector_load %arg7[%swap3A_729, %swap3A_730] {strides = array<i32>} : memref<32x512xf32, #tpu.memory_space<vmem>>, vector<16xf32>,
      tpu.vector_store %arg7[%swap3A_729, %swap3A_730], %gather3A_727 {strides = array<i32>} : memref<32x512xf32, #tpu.memory_space<vmem>>, vector<16xf32>,
      %broadcast_in_dim3A_732 = arith.constant 28 : i32
      %broadcast_in_dim3A_733 = vector.broadcast %broadcast_in_dim3A_732 : i32 to vector<16xi32>
      %gather3A_734 = tpu.vector_load_idx %arg6[%iota3A, %broadcast_in_dim3A_733, %and3A_538] : memref<16x32x128xf32, #tpu.memory_space<vmem>>[vector<16xi32>, vector<16xi32>, vector<16xi32>], vector<16xf32>,
      %swap3A_735 = arith.constant 28 : i32
      %swap3A_736 = arith.index_cast %swap3A_735 : i32 to index
      %swap3A_737 = arith.index_cast %mul3A_13 : i32 to index
      %swap3A_738 = tpu.vector_load %arg7[%swap3A_736, %swap3A_737] {strides = array<i32>} : memref<32x512xf32, #tpu.memory_space<vmem>>, vector<16xf32>,
      tpu.vector_store %arg7[%swap3A_736, %swap3A_737], %gather3A_734 {strides = array<i32>} : memref<32x512xf32, #tpu.memory_space<vmem>>, vector<16xf32>,
      %broadcast_in_dim3A_739 = arith.constant 29 : i32
      %broadcast_in_dim3A_740 = vector.broadcast %broadcast_in_dim3A_739 : i32 to vector<16xi32>
      %gather3A_741 = tpu.vector_load_idx %arg6[%iota3A, %broadcast_in_dim3A_740, %and3A_538] : memref<16x32x128xf32, #tpu.memory_space<vmem>>[vector<16xi32>, vector<16xi32>, vector<16xi32>], vector<16xf32>,
      %swap3A_742 = arith.constant 29 : i32
      %swap3A_743 = arith.index_cast %swap3A_742 : i32 to index
      %swap3A_744 = arith.index_cast %mul3A_13 : i32 to index
      %swap3A_745 = tpu.vector_load %arg7[%swap3A_743, %swap3A_744] {strides = array<i32>} : memref<32x512xf32, #tpu.memory_space<vmem>>, vector<16xf32>,
      tpu.vector_store %arg7[%swap3A_743, %swap3A_744], %gather3A_741 {strides = array<i32>} : memref<32x512xf32, #tpu.memory_space<vmem>>, vector<16xf32>,
      %broadcast_in_dim3A_746 = arith.constant 30 : i32
      %broadcast_in_dim3A_747 = vector.broadcast %broadcast_in_dim3A_746 : i32 to vector<16xi32>
      %gather3A_748 = tpu.vector_load_idx %arg6[%iota3A, %broadcast_in_dim3A_747, %and3A_538] : memref<16x32x128xf32, #tpu.memory_space<vmem>>[vector<16xi32>, vector<16xi32>, vector<16xi32>], vector<16xf32>,
      %swap3A_749 = arith.constant 30 : i32
      %swap3A_750 = arith.index_cast %swap3A_749 : i32 to index
      %swap3A_751 = arith.index_cast %mul3A_13 : i32 to index
      %swap3A_752 = tpu.vector_load %arg7[%swap3A_750, %swap3A_751] {strides = array<i32>} : memref<32x512xf32, #tpu.memory_space<vmem>>, vector<16xf32>,
      tpu.vector_store %arg7[%swap3A_750, %swap3A_751], %gather3A_748 {strides = array<i32>} : memref<32x512xf32, #tpu.memory_space<vmem>>, vector<16xf32>,
      %broadcast_in_dim3A_753 = arith.constant 31 : i32
      %broadcast_in_dim3A_754 = vector.broadcast %broadcast_in_dim3A_753 : i32 to vector<16xi32>
      %gather3A_755 = tpu.vector_load_idx %arg6[%iota3A, %broadcast_in_dim3A_754, %and3A_538] : memref<16x32x128xf32, #tpu.memory_space<vmem>>[vector<16xi32>, vector<16xi32>, vector<16xi32>], vector<16xf32>,
      %swap3A_756 = arith.constant 31 : i32
      %swap3A_757 = arith.index_cast %swap3A_756 : i32 to index
      %swap3A_758 = arith.index_cast %mul3A_13 : i32 to index
      %swap3A_759 = tpu.vector_load %arg7[%swap3A_757, %swap3A_758] {strides = array<i32>} : memref<32x512xf32, #tpu.memory_space<vmem>>, vector<16xf32>,
      tpu.vector_store %arg7[%swap3A_757, %swap3A_758], %gather3A_755 {strides = array<i32>} : memref<32x512xf32, #tpu.memory_space<vmem>>, vector<16xf32>,
    }
    %scan3A_6 = arith.constant 32 : i32
    "tpu.region"() ({
      %run_scoped3A = tpu.sem_alloc : memref<!tpu.dma_semaphore, #tpu.memory_space<semaphore_mem>>
      %dma_start3A = arith.constant 0 : i32
      %dma_start3A_7 = tpu.memref_slice %arg4[%dma_start3A, %mul3A_2] : memref<32x16384xf32, #tpu.memory_space<hbm>> -> memref<32x512xf32, #tpu.memory_space<hbm>>
      %dma_start3A_8 = arith.constant 0 : i32
      %dma_start3A_9 = tpu.memref_slice %arg4[%dma_start3A_8, %mul3A_2] : memref<32x16384xf32, #tpu.memory_space<hbm>> -> memref<32x512xf32, #tpu.memory_space<hbm>>
      tpu.enqueue_dma source(%arg7 : memref<32x512xf32, #tpu.memory_space<vmem>>) target(%dma_start3A_9 : memref<32x512xf32, #tpu.memory_space<hbm>>) target_semaphore(%run_scoped3A : memref<!tpu.dma_semaphore, #tpu.memory_space<semaphore_mem>>)
      %dma_wait3A = arith.constant 0 : i32
      %dma_wait3A_10 = tpu.memref_slice %arg4[%dma_wait3A, %mul3A_2] : memref<32x16384xf32, #tpu.memory_space<hbm>> -> memref<32x512xf32, #tpu.memory_space<hbm>>
      %dma_wait3A_11 = arith.constant 0 : i32
      %dma_wait3A_12 = tpu.memref_slice %arg4[%dma_wait3A_11, %mul3A_2] : memref<32x16384xf32, #tpu.memory_space<hbm>> -> memref<32x512xf32, #tpu.memory_space<hbm>>
      tpu.wait_dma2 semaphore(%run_scoped3A : memref<!tpu.dma_semaphore, #tpu.memory_space<semaphore_mem>>) src(%arg7 : memref<32x512xf32, #tpu.memory_space<vmem>>) dst(%dma_wait3A_12 : memref<32x512xf32, #tpu.memory_space<hbm>>)
      tpu.yield
    }) : () -> ()
    return
  }
}

</mosaic_0001>

<sc_bundles>
// kernel: kernel.3.cloned.1.call-start
scs
__scs_entry_jumppad:
0x0: {  	(pc) =	sbr.rel $0x88, $3  }
0x1: {  	(tag) =	ssettag $0x0;
	lr =	simm.s32 $0x1  }
0x2: {  	[smem:$0x3F9F] =	sst lr;
	_ =	strace $0xD0000000  }
0x3: {  	_ = 	snop  }
0x4: {  	_ = 	snop  }
0x5: {  	_ = 	snop  }
0x6: {  	_ = 	snop  }
0x7: {  	_ = 	snop  }
__scs_overlays_trampoline_lowered:
0x8: {  	[smem:$0x3FAE] =	sst s0  }
0x9: {  	[smem:$0x3FAF] =	sst s1  }
0xa: {  	[smem:$0x3FB0] =	sst s2  }
0xb: {  	[smem:$0x3FB1] =	sst s3  }
0xc: {  	[smem:$0x3FB2] =	sst s4  }
0xd: {  	[smem:$0x3FB3] =	sst s5  }
0xe: {  	[smem:$0x3FB4] =	sst s6  }
0xf: {  	[smem:$0x3FB5] =	sst s7  }
0x10: {  	[smem:$0x3FB6] =	sst s8  }
0x11: {  	[smem:$0x3FB7] =	sst s9;
	s0 =	simm.s32 @!p0 $0x0  }
0x12: {  	s1 =	sld [smem:$0x3F9D];
	s0 =	simm.s32 @p0 $0x1  }
0x13: {  	[smem:$0x3FB8] =	sst s0;
	s0 =	simm.s32 @!p1 $0x0  }
0x14: {  	s2 =	sld [smem:$0x3F9C];
	s0 =	simm.s32 @p1 $0x1  }
0x15: {  	[smem:$0x3FB9] =	sst s0;
	s0 =	simm.s32 @!p2 $0x0  }
0x16: {  	s3 =	sld [smem:$0x3FDB];
	s0 =	simm.s32 @p2 $0x1  }
0x17: {  	s4 =	simm.s32 $0x1BF5;
	[smem:$0x3FBB] =	sst s0  }
0x18: {  	s0 =	sld [smem:$0x3F9E];
	_ =	swait.ge [sflag:s4], $0x0  }
0x19: {  	s7 =	sld [smem:$0x3F9F]  }
0x1a: {  	s8 =	sadd.s32 $0xFFFFE003, lr  }
0x1b: {  	s9 =	sadd.s32 $0xFFFFFEF7, lr;
	s5 =	simm.s32 $0xFFFFFFFF;
	p2 =	slt.u32 s8, $0xFFFFF086  }
0x1c: {  	p1 =	slt.u32 s9, $0xF7A;
	s5 =	simm.s32 @!p2 $0x0  }
0x1d: {  	s5 =	simm.s32 @p1 $0x1;
	p0 =	seq.s32 s7, s2  }
0x1e: {  	s7 =	smul.u32 @!p0 $0xF7A, s2;
	p2 =	seq.s32 @!p0 s5, $0x0  }
0x1f: {  	s9 =	smul.u32 $0xF7A, s1;
	s8 =	simm.s32 @!p0 $0x1BF5;
	p2 =	por !p2, p0  }
0x20: {  	[sflag:s8] =	ssyncset.s32 @!p0 $0xFFFFF086;
	s6 =	sadd.s32 @!p0 s3, s7;
	s7 =	simm.s32 @!p0 $0x108  }
0x21: {  	s3 =	sadd.s32 s3, s9;
	s6 =	sadd.s32 @!p0 $0x88, s6;
	s7 =	simm.s32 @p2 $0x1082  }
0x22: {  	[simem:s7], [sflag:s8] =	dma.local @!p0 [hbm:s6], $0xF7A  }
0x23: {  	s9 =	sor.u32 $0xD0000000, s2;
	s6 =	simm.s32 $0x108;
	_ =	swait.ge @!p0 [sflag:s8], $0x0  }
0x24: {  	s3 =	sadd.s32 $0x88, s3;
	s6 =	simm.s32 @!p1 $0x1082;
	[sflag:s4] =	ssyncset.s32 $0xFFFFF086  }
0x25: {  	[simem:s6], [sflag:s4] =	dma.local [hbm:s3], $0xF7A  }
0x26: {  	[smem:$0x3F9F] =	sst s1;
	(tag) =	ssettag s2;
	_ =	strace s9  }
0x27: {  	s1 =	sld [smem:$0x3FAF]  }
0x28: {  	s2 =	sld [smem:$0x3FB0]  }
0x29: {  	s4 =	sld [smem:$0x3FB2]  }
0x2a: {  	p0 =	seq.s32 s5, $0x0;
	s5 =	sld [smem:$0x3FB3]  }
0x2b: {  	s6 =	sld [smem:$0x3FB4]  }
0x2c: {  	s7 =	sld [smem:$0x3FB5]  }
0x2d: {  	s3 =	simm.s32 $0x108;
	s8 =	sld [smem:$0x3FB6]  }
0x2e: {  	s3 =	simm.s32 @!p0 $0x1082;
	s9 =	sld [smem:$0x3FB7]  }
0x2f: {  	lr =	sadd.s32 s0, s3;
	s0 =	sld [smem:$0x3FAE]  }
0x30: {  	s3 =	sld [smem:$0x3FB1]  }
0x31: {  	[smem:$0x3FBA] =	sst s10  }
0x32: {  	s10 =	sld [smem:$0x3FB8];
	_ =	sdelay $0x3  }
0x33: {  	p0 =	seq.s32 s10, $0x1;
	s10 =	sld [smem:$0x3FBA];
	_ =	sdelay $0x3  }
0x34: {  	[smem:$0x3FBA] =	sst s10  }
0x35: {  	s10 =	sld [smem:$0x3FB9];
	_ =	sdelay $0x3  }
0x36: {  	p1 =	seq.s32 s10, $0x1;
	s10 =	sld [smem:$0x3FBA];
	_ =	sdelay $0x3  }
0x37: {  	[smem:$0x3FBA] =	sst s10  }
0x38: {  	s10 =	sld [smem:$0x3FBB]  }
0x39: {  	_ = 	snop;
	(pc) =	sbr.ind lr, $3  }
0x3a: {  	_ = 	snop  }
0x3b: {  	_ = 	snop  }
0x3c: {  	p2 =	seq.s32 s10, $0x1;
	s10 =	sld [smem:$0x3FBA]  }
0x3d: {  	_ =	shalt  }
0x3e: {  	_ =	shalt  }
0x3f: {  	_ =	shalt  }
0x40: {  	_ =	shalt  }
0x41: {  	_ =	shalt  }
0x42: {  	_ =	shalt  }
0x43: {  	_ =	shalt  }
0x44: {  	_ =	shalt  }
0x45: {  	_ =	shalt  }
0x46: {  	_ =	shalt  }
0x47: {  	_ =	shalt  }
0x48: {  	_ =	shalt  }
0x49: {  	_ =	shalt  }
0x4a: {  	_ =	shalt  }
0x4b: {  	_ =	shalt  }
0x4c: {  	_ =	shalt  }
0x4d: {  	_ =	shalt  }
0x4e: {  	_ =	shalt  }
0x4f: {  	_ =	shalt  }
0x50: {  	_ =	shalt  }
0x51: {  	_ =	shalt  }
0x52: {  	_ =	shalt  }
0x53: {  	_ =	shalt  }
0x54: {  	_ =	shalt  }
0x55: {  	_ =	shalt  }
0x56: {  	_ =	shalt  }
0x57: {  	_ =	shalt  }
0x58: {  	_ =	shalt  }
0x59: {  	_ =	shalt  }
0x5a: {  	_ =	shalt  }
0x5b: {  	_ =	shalt  }
0x5c: {  	_ =	shalt  }
0x5d: {  	_ =	shalt  }
0x5e: {  	_ =	shalt  }
0x5f: {  	_ =	shalt  }
0x60: {  	_ =	shalt  }
0x61: {  	_ =	shalt  }
0x62: {  	_ =	shalt  }
0x63: {  	_ =	shalt  }
0x64: {  	_ =	shalt  }
0x65: {  	_ =	shalt  }
0x66: {  	_ =	shalt  }
0x67: {  	_ =	shalt  }
0x68: {  	_ =	shalt  }
0x69: {  	_ =	shalt  }
0x6a: {  	_ =	shalt  }
0x6b: {  	_ =	shalt  }
0x6c: {  	_ =	shalt  }
0x6d: {  	_ =	shalt  }
0x6e: {  	_ =	shalt  }
0x6f: {  	_ =	shalt  }
0x70: {  	_ =	shalt  }
0x71: {  	_ =	shalt  }
0x72: {  	_ =	shalt  }
0x73: {  	_ =	shalt  }
0x74: {  	_ =	shalt  }
0x75: {  	_ =	shalt  }
0x76: {  	_ =	shalt  }
0x77: {  	_ =	shalt  }
0x78: {  	_ =	shalt  }
0x79: {  	_ =	shalt  }
0x7a: {  	_ =	shalt  }
0x7b: {  	_ =	shalt  }
0x7c: {  	_ =	shalt  }
0x7d: {  	_ =	shalt  }
0x7e: {  	_ =	shalt  }
0x7f: {  	_ =	shalt  }
0x80: {  	_ =	shalt  }
0x81: {  	_ =	shalt  }
0x82: {  	_ =	shalt  }
0x83: {  	_ =	shalt  }
0x84: {  	_ =	shalt  }
0x85: {  	_ =	shalt  }
0x86: {  	_ =	shalt  }
0x87: {  	_ =	shalt  }
.Lfunc_end0:
.L_simem_size_0:
called_computation_lowered:
.L_overlay_start_0:
0x88: {  	s2 =	sld [smem:$0x3FD9]  }
0x89: {  	s3 =	sld [smem:$0x3FFE];
	_ =	sdelay $0x1  }
0x8a: {  	s1 =	srdreg.scid  }
0x8b: {  	s0 =	sand.u32 $0x1, s1  }
0x8c: {  	s18 =	sshll.u32 s0, $0xA;
	s2 =	sadd.s32 s3, s2  }
0x8d: {  	s2 =	sadd.s32 s2, s18  }
0x8e: {  	[smem:$0x3FC6] =	sst s2  }
0x8f: {  	_ = 	snop  }
0x90: {  	s2 =	sld [smem:$0x3FC9]  }
0x91: {  	s19 =	sld [smem:$0x3FC8]  }
0x92: {  	s4 =	sld [smem:$0x3FD0];
	(tm) =	ssettm $0x1  }
0x93: {  	s5 =	sld [smem:$0x3FFB];
	_ =	sdelay $0x3  }
0x94: {  	_ =	strace s5  }
0x95: {  	s5 =	sld [smem:$0x3FFC];
	_ =	sdelay $0x3  }
0x96: {  	_ =	strace s5  }
0x97: {  	s5 =	sld [smem:$0x3FFD];
	_ =	sdelay $0x3  }
0x98: {  	_ =	strace s5  }
0x99: {  	_ =	strace $0x8FFFFFFF  }
0x9a: {  	s20 =	sld [smem:$0x3FDB];
	_ =	sdelay $0x1  }
0x9b: {  	s6 =	simm.s32 $_scs_section_size  }
0x9c: {  	s7 =	simm.s32 $_size__tile_overlayer_lowered;
	s8 =	simm.s32 $_tile_overlayer_lowered  }
0x9d: {  	s23 =	simm.s32 $0x1BFF;
	s22 =	sshll.u32 s8, $0x1;
	s5 =	sadd.s32 s6, s20  }
0x9e: {  	s9 =	simm.s32 $0x0;
	s21 =	sshll.u32 s7, $0x1;
	s7 =	sadd.s32 s22, s5  }
0x9f: {  	[timem:s9], [sflag:s23] =	dma.local [hbm:s7], s21  }
0xa0: {  	_ =	swait.ge [sflag:s23], s21  }
0xa1: {  	s6 =	ssub.s32 $0x0, s21;
	[sflag:s23] =	ssyncset.done $0x0  }
0xa2: {  	[sflag:s23] =	ssyncadd.s32 s6;
	_ =	sdelay $0x1  }
0xa3: {  	s24 =	simm.s32 $0x1B8B  }
0xa4: {  	_ =	swait.ge [sflag:s24], $0x1  }
0xa5: {  	[sflag:s24] =	ssyncset.done $0x0  }
0xa6: {  	s25 =	simm.s32 $0x1B8E;
	[sflag:s24] =	ssyncadd.s32 $0xFFFFFFFF  }
0xa7: {  	s26 =	simm.s32 $execute0_lowered;
	[smem:$0x3FD2] =	sst s25  }
0xa8: {  	s6 =	sshll.u32 s26, $0x1;
	_ =	strace $0x80000046;
	[dreg:$0x1] =	wrdreg $0xFFFFFFFF  }
0xa9: {  	s28 =	simm.s32 $_size_execute0_lowered;
	s5 =	sadd.s32 s5, s6;
	[dreg:$0x0] =	wrdreg $0x0  }
0xaa: {  	s6 =	sshll.u32 s28, $0x1;
	[dreg:$0x2] =	wrdreg s5  }
0xab: {  	[dreg:$0x3] =	wrdreg s6  }
0xac: {  	[dreg:$0x4] =	wrdreg $0xC0  }
0xad: {  	_ =	task [dreg:s9], $0x5FFFF  }
0xae: {  	[dreg:$0x1] =	wrdreg $0xFFFFFFFF  }
0xaf: {  	[dreg:$0x0] =	wrdreg $0x60  }
0xb0: {  	[dreg:$0x2] =	wrdreg s2  }
0xb1: {  	[dreg:$0x3] =	wrdreg s19  }
0xb2: {  	[dreg:$0x4] =	wrdreg s4  }
0xb3: {  	[dreg:$0x5] =	wrdreg $0x9  }
0xb4: {  	_ =	task.clear_ibuf [dreg:s9], $0x6FFFF;
	_ =	strace $0x90000046  }
0xb5: {  	s29 =	simm.s32 $0x9;
	_ =	strace $0x80000048  }
0xb6: {  	_ =	swait.ge [sflag:s29], $0x1  }
0xb7: {  	[sflag:s29] =	ssyncadd.s32 $0xFFFFFFFF  }
0xb8: {  	_ =	strace $0x90000048  }
0xb9: {  	_ =	sfence  }
0xba: {  	s30 =	sld [smem:$0x0];
	_ =	sdelay $0x2  }
0xbb: {  	s31 =	sshll.u32 s1, $0xD;
	s1 =	sshrl.u32 s1, $0x2  }
0xbc: {  	s3 =	sand.u32 $0x4000, s31;
	s1 =	sadd.s32 s1, s30  }
0xbd: {  	s0 =	sor.u32 s3, s0;
	s1 =	sshll.u32 s1, $0x11  }
0xbe: {  	s0 =	sor.u32 s1, s0  }
0xbf: {  	s0 =	sadd.s32 $0x8F2B, s0  }
0xc0: {  	[sflag:s0] =	ssyncadd.remote.s32 $0x1  }
0xc1: {  	_ =	sfence.sel $0xFFFF  }
0xc2: {  	[dreg:$0x0] =	wrdreg $0xFFFFFFFF;
	(pc) =	sbr.abs _section_cstart, $3  }
0xc3: {  	[dreg:$0x1] =	wrdreg $0xFFFFFFFF  }
0xc4: {  	_ =	task.clear_ibuf [dreg:s9], $0x2FFFF;
	_ =	strace $0x9FFFFFFF  }
0xc5: {  	(tm) =	ssettm $0x7FFFFFFF  }
tec
execute0_lowered:
.L_overlay_start_1:
0x0: {  	(tag) =	ssettag $0x1  }
0x1: {  	s4 =	rddreg [dreg:$0x0]  }
0x2: {  	s1 =	rddreg [dreg:$0x1]  }
0x3: {  	s5 =	rddreg [dreg:$0x2]  }
0x4: {  	s0 =	rddreg [dreg:$0x3];
	s3 =	simm.s32 $0x0  }
0x5: {  	s6 =	srdreg.scid;
	s7 =	simm.s32 $0x1200;
	[smem:$0x7FF] =	sst s3  }
0x6: {  	s18 =	simm.s32 $0x2200;
	_ =	strace $0x80000047;
	[dreg:$0x4] =	wrdreg s7  }
0x7: {  	s2 =	stileid.u32;
	s19 =	simm.s32 $0x3200;
	[dreg:$0x5] =	wrdreg s18  }
0x8: {  	s20 =	simm.s32 $0x4200;
	s22 =	simm.s32 $0x5200;
	[dreg:$0x6] =	wrdreg s19  }
0x9: {  	v0 =	vlaneseq.u32;
	s23 =	simm.s32 $0x6200;
	s24 =	simm.s32 $0x7200;
	[dreg:$0x7] =	wrdreg s20  }
0xa: {  	s25 =	simm.s32 $0x8200;
	s26 =	simm.s32 $0x9200;
	v0 =	vmul.u32 $0x1000, v0;
	[dreg:$0x8] =	wrdreg s22  }
0xb: {  	s28 =	simm.s32 $0xA200;
	s29 =	simm.s32 $0xB200;
	[dreg:$0x9] =	wrdreg s23  }
0xc: {  	s30 =	simm.s32 $0xC200;
	s10 =	simm.s32 $0xD200;
	[dreg:$0xa] =	wrdreg s24;
	v1 =	vor.u32 $0x80, v0  }
0xd: {  	s11 =	simm.s32 $0xE200;
	s31 =	simm.s32 $0xF200;
	[dreg:$0xb] =	wrdreg s25;
	v2 =	vor.u32 $0x100, v0;
	v3 =	vor.u32 $0x180, v0;
	v4 =	vor.u32 $0x200, v0  }
0xe: {  	s12 =	simm.s32 $0x1000;
	s13 =	simm.s32 $0x20000;
	[dreg:$0xc] =	wrdreg s26;
	v5 =	vor.u32 $0x280, v0;
	v6 =	vor.u32 $0x300, v0;
	v7 =	vor.u32 $0x380, v0  }
0xf: {  	s14 =	simm.s32 $0x10200;
	s15 =	simm.s32 $0x0;
	[dreg:$0xd] =	wrdreg s28;
	v8 =	vor.u32 $0x400, v0;
	v9 =	vor.u32 $0x480, v0;
	v10 =	vor.u32 $0x500, v0  }
0x10: {  	s6 =	sand.u32 $0x1, s6;
	s21 =	sshll.u32 s2, $0xA;
	[dreg:$0xe] =	wrdreg s29;
	v11 =	vor.u32 $0x580, v0;
	v12 =	vor.u32 $0x600, v0;
	v13 =	vor.u32 $0x680, v0  }
0x11: {  	s8 =	ssub.s32 $0x2, s6;
	s6 =	sshll.u32 s6, $0x9;
	[dreg:$0xf] =	wrdreg s30;
	v14 =	vor.u32 $0x700, v0;
	v15 =	vor.u32 $0x780, v0;
	v16 =	vor.u32 $0x800, v0  }
0x12: {  	s7 =	simm.s32 $0x2;
	[dreg:$0x10] =	wrdreg s10;
	s10 =	simm.s32 $0x200;
	v17 =	vor.u32 $0x880, v0;
	v18 =	vor.u32 $0x900, v0;
	v19 =	vor.u32 $0x980, v0  }
0x13: {  	[dreg:$0x11] =	wrdreg s11;
	s9 =	sshrl.u32 s8, $0x1;
	s6 =	sor.u32 s6, s21;
	v20 =	vor.u32 $0xA00, v0;
	v21 =	vor.u32 $0xA80, v0;
	v22 =	vor.u32 $0xB00, v0  }
0x14: {  	[dreg:$0x12] =	wrdreg s31;
	v23 =	vor.u32 $0xB80, v0;
	v24 =	vor.u32 $0xC00, v0;
	v25 =	vor.u32 $0xC80, v0;
	s8 =	ssub.s32 s8, s9;
	s9 =	sshrl.u32 s6, $0x3  }
0x15: {  	s11 =	simm.s32 $0x1;
	v26 =	vor.u32 $0xD00, v0;
	v27 =	vor.u32 $0xD80, v0;
	v28 =	vor.u32 $0xE00, v0;
	s5 =	sadd.s32 s5, s6;
	s4 =	sadd.s32 s4, s9  }
0x16: {  	v29 =	vor.u32 $0xE80, v0;
	v30 =	vor.u32 $0xF00, v0;
	v31 =	vor.u32 $0xF80, v0;
	s6 =	smax.u32 s8, $0x1;
	s8 =	simm.s32 $0x400;
	s9 =	simm.s32 $0x7A1400  }
.LBB2_1:
0x17: {  	[tilespmem:s3], [sflag:$0x2] =	stream.linear.gather [hbm4b:s4+s3], $0x200, $0x38;
	[tilespmem:$0x14200] =	vst v63  }
0x18: {  	_ =	swait.ge [sflag:s7], $0x200  }
0x19: {  	s16 =	simm.s32 $0x0;
	[sflag:s7] =	ssyncset.done $0x0  }
0x1a: {  	s17 =	simm.s32 $0x0;
	s18 =	simm.s32 $0x0;
	[sflag:s7] =	ssyncadd.s32 $0xFFFFFE00  }
.LBB2_2:
0x1b: {  	v32 =	vld [tilespmem:s16+$0x0];
	_ =	sdelay $0x4  }
0x1c: {  	(v2sf) =	vpush v32, $0x0;
	_ =	sdelay $0x1  }
0x1d: {  	(v2sf) =	vpush v32, $0x1;
	_ =	sdelay $0x1  }
0x1e: {  	(v2sf) =	vpush v32, $0x2;
	_ =	sdelay $0x2  }
0x1f: {  	(v2sf) =	vpush v32, $0x3;
	_ =	sdelay $0x7  }
0x20: {  	s19 =	spop (v2sf);
	(v2sf) =	vpush v32, $0x4;
	_ =	sdelay $0x1  }
0x21: {  	s31 =	spop (v2sf);
	(v2sf) =	vpush v32, $0x5;
	_ =	sdelay $0x1  }
0x22: {  	s21 =	spop (v2sf);
	(v2sf) =	vpush v32, $0x6;
	_ =	sdelay $0x1  }
0x23: {  	s19 =	sand.u32 $0xFFFFF80, s19  }
0x24: {  	s19 =	sadd.s32 s1, s19;
	s23 =	spop (v2sf);
	(v2sf) =	vpush v32, $0x7  }
0x25: {  	[tilespmem:s10], [sflag:$0x1] =	stream.strided.gather [hbm4b:s19+s8], $0x1000, s9, s8, $0x38;
	[tilespmem:$0x14200] =	vst v63  }
0x26: {  	s19 =	sand.u32 $0xFFFFF80, s31  }
0x27: {  	s20 =	rddreg [dreg:$0x4];
	s19 =	sadd.s32 s1, s19  }
0x28: {  	[tilespmem:s20], [sflag:$0x1] =	stream.strided.gather [hbm4b:s19+s8], $0x1000, s9, s8, $0x38;
	[tilespmem:$0x14200] =	vst v63  }
0x29: {  	s19 =	sand.u32 $0xFFFFF80, s21  }
0x2a: {  	s22 =	rddreg [dreg:$0x5];
	s19 =	sadd.s32 s1, s19  }
0x2b: {  	[tilespmem:s22], [sflag:$0x1] =	stream.strided.gather [hbm4b:s19+s8], $0x1000, s9, s8, $0x38;
	[tilespmem:$0x14200] =	vst v63  }
0x2c: {  	s25 =	spop (v2sf);
	(v2sf) =	vpush v32, $0x8  }
0x2d: {  	s19 =	sand.u32 $0xFFFFF80, s23  }
0x2e: {  	s24 =	rddreg [dreg:$0x6];
	s19 =	sadd.s32 s1, s19;
	s28 =	spop (v2sf);
	(v2sf) =	vpush v32, $0x9  }
0x2f: {  	[tilespmem:s24], [sflag:$0x1] =	stream.strided.gather [hbm4b:s19+s8], $0x1000, s9, s8, $0x38;
	[tilespmem:$0x14200] =	vst v63  }
0x30: {  	s19 =	sand.u32 $0xFFFFF80, s25;
	s30 =	spop (v2sf);
	(v2sf) =	vpush v32, $0xA  }
0x31: {  	s26 =	rddreg [dreg:$0x7];
	s19 =	sadd.s32 s1, s19  }
0x32: {  	[tilespmem:s26], [sflag:$0x1] =	stream.strided.gather [hbm4b:s19+s8], $0x1000, s9, s8, $0x38;
	[tilespmem:$0x14200] =	vst v63  }
0x33: {  	s21 =	spop (v2sf);
	(v2sf) =	vpush v32, $0xB  }
0x34: {  	s19 =	sand.u32 $0xFFFFF80, s28  }
0x35: {  	s29 =	rddreg [dreg:$0x8];
	s19 =	sadd.s32 s1, s19  }
0x36: {  	[tilespmem:s29], [sflag:$0x1] =	stream.strided.gather [hbm4b:s19+s8], $0x1000, s9, s8, $0x38;
	[tilespmem:$0x14200] =	vst v63  }
0x37: {  	s19 =	sand.u32 $0xFFFFF80, s30  }
0x38: {  	s31 =	rddreg [dreg:$0x9];
	s19 =	sadd.s32 s1, s19  }
0x39: {  	[tilespmem:s31], [sflag:$0x1] =	stream.strided.gather [hbm4b:s19+s8], $0x1000, s9, s8, $0x38;
	[tilespmem:$0x14200] =	vst v63  }
0x3a: {  	s19 =	sand.u32 $0xFFFFF80, s21  }
0x3b: {  	s22 =	rddreg [dreg:$0xa];
	s19 =	sadd.s32 s1, s19;
	s23 =	spop (v2sf);
	(v2sf) =	vpush v32, $0xC  }
0x3c: {  	[tilespmem:s22], [sflag:$0x1] =	stream.strided.gather [hbm4b:s19+s8], $0x1000, s9, s8, $0x38;
	[tilespmem:$0x14200] =	vst v63  }
0x3d: {  	s25 =	spop (v2sf);
	(v2sf) =	vpush v32, $0xD  }
0x3e: {  	s19 =	sand.u32 $0xFFFFF80, s23  }
0x3f: {  	s24 =	rddreg [dreg:$0xb];
	s19 =	sadd.s32 s1, s19;
	s28 =	spop (v2sf)  }
0x40: {  	(v2sf) =	vpush v32, $0xE;
	[tilespmem:s24], [sflag:$0x1] =	stream.strided.gather [hbm4b:s19+s8], $0x1000, s9, s8, $0x38;
	[tilespmem:$0x14200] =	vst v63  }
0x41: {  	s19 =	sand.u32 $0xFFFFF80, s25  }
0x42: {  	s26 =	rddreg [dreg:$0xc];
	s30 =	spop (v2sf);
	s19 =	sadd.s32 s1, s19  }
0x43: {  	(v2sf) =	vpush v32, $0xF;
	[tilespmem:s26], [sflag:$0x1] =	stream.strided.gather [hbm4b:s19+s8], $0x1000, s9, s8, $0x38;
	[tilespmem:$0x14200] =	vst v63  }
0x44: {  	s19 =	sand.u32 $0xFFFFF80, s28  }
0x45: {  	s29 =	rddreg [dreg:$0xd];
	s19 =	sadd.s32 s1, s19  }
0x46: {  	[tilespmem:s29], [sflag:$0x1] =	stream.strided.gather [hbm4b:s19+s8], $0x1000, s9, s8, $0x38;
	[tilespmem:$0x14200] =	vst v63  }
0x47: {  	s19 =	sand.u32 $0xFFFFF80, s30  }
0x48: {  	s31 =	rddreg [dreg:$0xe];
	s19 =	sadd.s32 s1, s19  }
0x49: {  	[tilespmem:s31], [sflag:$0x1] =	stream.strided.gather [hbm4b:s19+s8], $0x1000, s9, s8, $0x38;
	[tilespmem:$0x14200] =	vst v63  }
0x4a: {  	s20 =	spop (v2sf)  }
0x4b: {  	s19 =	sand.u32 $0xFFFFF80, s20  }
0x4c: {  	s21 =	rddreg [dreg:$0xf];
	s22 =	spop (v2sf);
	s19 =	sadd.s32 s1, s19  }
0x4d: {  	[tilespmem:s21], [sflag:$0x1] =	stream.strided.gather [hbm4b:s19+s8], $0x1000, s9, s8, $0x38;
	[tilespmem:$0x14200] =	vst v63  }
0x4e: {  	s19 =	sand.u32 $0xFFFFF80, s22  }
0x4f: {  	s23 =	rddreg [dreg:$0x10];
	s24 =	spop (v2sf);
	s19 =	sadd.s32 s1, s19  }
0x50: {  	[tilespmem:s23], [sflag:$0x1] =	stream.strided.gather [hbm4b:s19+s8], $0x1000, s9, s8, $0x38;
	[tilespmem:$0x14200] =	vst v63  }
0x51: {  	s19 =	sand.u32 $0xFFFFF80, s24  }
0x52: {  	s25 =	rddreg [dreg:$0x11];
	s26 =	spop (v2sf);
	s19 =	sadd.s32 s1, s19  }
0x53: {  	[tilespmem:s25], [sflag:$0x1] =	stream.strided.gather [hbm4b:s19+s8], $0x1000, s9, s8, $0x38;
	[tilespmem:$0x14200] =	vst v63  }
0x54: {  	s19 =	sand.u32 $0xFFFFF80, s26  }
0x55: {  	s28 =	rddreg [dreg:$0x12];
	s19 =	sadd.s32 s1, s19  }
0x56: {  	[tilespmem:s28], [sflag:$0x1] =	stream.strided.gather [hbm4b:s19+s8], $0x1000, s9, s8, $0x38;
	[tilespmem:$0x14200] =	vst v63  }
0x57: {  	_ =	swait.ge [sflag:s11], $0x1000  }
0x58: {  	[sflag:s11] =	ssyncset.done $0x0  }
0x59: {  	[sflag:s11] =	ssyncadd.s32 $0xFFFFF000  }
0x5a: {  	_ =	swait.ge [sflag:s11], $0x1000  }
0x5b: {  	[sflag:s11] =	ssyncset.done $0x0  }
0x5c: {  	[sflag:s11] =	ssyncadd.s32 $0xFFFFF000  }
0x5d: {  	_ =	swait.ge [sflag:s11], $0x1000  }
0x5e: {  	[sflag:s11] =	ssyncset.done $0x0  }
0x5f: {  	[sflag:s11] =	ssyncadd.s32 $0xFFFFF000  }
0x60: {  	_ =	swait.ge [sflag:s11], $0x1000  }
0x61: {  	[sflag:s11] =	ssyncset.done $0x0  }
0x62: {  	[sflag:s11] =	ssyncadd.s32 $0xFFFFF000  }
0x63: {  	_ =	swait.ge [sflag:s11], $0x1000  }
0x64: {  	[sflag:s11] =	ssyncset.done $0x0  }
0x65: {  	[sflag:s11] =	ssyncadd.s32 $0xFFFFF000  }
0x66: {  	_ =	swait.ge [sflag:s11], $0x1000  }
0x67: {  	[sflag:s11] =	ssyncset.done $0x0  }
0x68: {  	[sflag:s11] =	ssyncadd.s32 $0xFFFFF000  }
0x69: {  	_ =	swait.ge [sflag:s11], $0x1000  }
0x6a: {  	[sflag:s11] =	ssyncset.done $0x0  }
0x6b: {  	[sflag:s11] =	ssyncadd.s32 $0xFFFFF000  }
0x6c: {  	_ =	swait.ge [sflag:s11], $0x1000  }
0x6d: {  	[sflag:s11] =	ssyncset.done $0x0  }
0x6e: {  	[sflag:s11] =	ssyncadd.s32 $0xFFFFF000  }
0x6f: {  	_ =	swait.ge [sflag:s11], $0x1000  }
0x70: {  	[sflag:s11] =	ssyncset.done $0x0  }
0x71: {  	[sflag:s11] =	ssyncadd.s32 $0xFFFFF000  }
0x72: {  	_ =	swait.ge [sflag:s11], $0x1000  }
0x73: {  	[sflag:s11] =	ssyncset.done $0x0  }
0x74: {  	[sflag:s11] =	ssyncadd.s32 $0xFFFFF000  }
0x75: {  	_ =	swait.ge [sflag:s11], $0x1000  }
0x76: {  	[sflag:s11] =	ssyncset.done $0x0  }
0x77: {  	[sflag:s11] =	ssyncadd.s32 $0xFFFFF000  }
0x78: {  	_ =	swait.ge [sflag:s11], $0x1000  }
0x79: {  	[sflag:s11] =	ssyncset.done $0x0  }
0x7a: {  	[sflag:s11] =	ssyncadd.s32 $0xFFFFF000  }
0x7b: {  	_ =	swait.ge [sflag:s11], $0x1000  }
0x7c: {  	[sflag:s11] =	ssyncset.done $0x0  }
0x7d: {  	[sflag:s11] =	ssyncadd.s32 $0xFFFFF000  }
0x7e: {  	_ =	swait.ge [sflag:s11], $0x1000  }
0x7f: {  	[sflag:s11] =	ssyncset.done $0x0  }
0x80: {  	[sflag:s11] =	ssyncadd.s32 $0xFFFFF000  }
0x81: {  	v32 =	vand.u32 $0x7F, v32;
	_ =	swait.ge [sflag:s11], $0x1000  }
0x82: {  	v33 =	vor.u32 v0, v32;
	[sflag:s11] =	ssyncset.done $0x0  }
0x83: {  	[sflag:s11] =	ssyncadd.s32 $0xFFFFF000  }
0x84: {  	_ =	swait.ge [sflag:s11], $0x1000  }
0x85: {  	[sflag:s11] =	ssyncset.done $0x0  }
0x86: {  	[sflag:s11] =	ssyncadd.s32 $0xFFFFF000  }
0x87: {  	v33 =	vld.idx.msk [tilespmem:v33+s10+$0x0], $0xffff  }
0x88: {  	v34 =	vor.u32 v1, v32;
	_ =	sdelay $0x1  }
0x89: {  	s29 =	sand.u32 $0x70, s18;
	s30 =	sand.u32 $0xC00, s17  }
0x8a: {  	s19 =	sor.u32 s29, s30  }
0x8b: {  	[tilespmem:s19+$0x10200] =	vst v33  }
0x8c: {  	v33 =	vld.idx.msk [tilespmem:v34+s10+$0x0], $0xffff  }
0x8d: {  	v63 =	vor.u32 v2, v32;
	_ =	sdelay $0x3  }
0x8e: {  	[tilespmem:s19+$0x10280] =	vst v33  }
0x8f: {  	v33 =	vld.idx.msk [tilespmem:v63+s10+$0x0], $0xffff  }
0x90: {  	v36 =	vor.u32 v3, v32;
	_ =	sdelay $0x3  }
0x91: {  	[tilespmem:s19+$0x10300] =	vst v33  }
0x92: {  	v33 =	vld.idx.msk [tilespmem:v36+s10+$0x0], $0xffff  }
0x93: {  	v37 =	vor.u32 v4, v32;
	_ =	sdelay $0x3  }
0x94: {  	[tilespmem:s19+$0x10380] =	vst v33  }
0x95: {  	v33 =	vld.idx.msk [tilespmem:v37+s10+$0x0], $0xffff  }
0x96: {  	v38 =	vor.u32 v5, v32;
	_ =	sdelay $0x3  }
0x97: {  	[tilespmem:s19+$0x10400] =	vst v33  }
0x98: {  	v33 =	vld.idx.msk [tilespmem:v38+s10+$0x0], $0xffff  }
0x99: {  	v39 =	vor.u32 v6, v32;
	_ =	sdelay $0x3  }
0x9a: {  	[tilespmem:s19+$0x10480] =	vst v33  }
0x9b: {  	v33 =	vld.idx.msk [tilespmem:v39+s10+$0x0], $0xffff  }
0x9c: {  	v40 =	vor.u32 v7, v32;
	_ =	sdelay $0x3  }
0x9d: {  	[tilespmem:s19+$0x10500] =	vst v33  }
0x9e: {  	v33 =	vld.idx.msk [tilespmem:v40+s10+$0x0], $0xffff  }
0x9f: {  	v41 =	vor.u32 v8, v32;
	_ =	sdelay $0x1  }
0xa0: {  	s31 =	sor.u32 s17, s18  }
0xa1: {  	s20 =	sor.u32 $0x380, s31  }
0xa2: {  	[tilespmem:s20+$0x10200] =	vst v33  }
0xa3: {  	v33 =	vld.idx.msk [tilespmem:v41+s10+$0x0], $0xffff  }
0xa4: {  	v42 =	vor.u32 v9, v32;
	_ =	sdelay $0x3  }
0xa5: {  	[tilespmem:s19+$0x11200] =	vst v33  }
0xa6: {  	v33 =	vld.idx.msk [tilespmem:v42+s10+$0x0], $0xffff  }
0xa7: {  	v43 =	vor.u32 v10, v32;
	_ =	sdelay $0x3  }
0xa8: {  	[tilespmem:s19+$0x11280] =	vst v33  }
0xa9: {  	v33 =	vld.idx.msk [tilespmem:v43+s10+$0x0], $0xffff  }
0xaa: {  	v44 =	vor.u32 v11, v32;
	_ =	sdelay $0x3  }
0xab: {  	[tilespmem:s19+$0x11300] =	vst v33  }
0xac: {  	v33 =	vld.idx.msk [tilespmem:v44+s10+$0x0], $0xffff  }
0xad: {  	v45 =	vor.u32 v12, v32;
	_ =	sdelay $0x3  }
0xae: {  	[tilespmem:s19+$0x11380] =	vst v33  }
0xaf: {  	v33 =	vld.idx.msk [tilespmem:v45+s10+$0x0], $0xffff  }
0xb0: {  	v46 =	vor.u32 v13, v32;
	_ =	sdelay $0x3  }
0xb1: {  	[tilespmem:s19+$0x11400] =	vst v33  }
0xb2: {  	v33 =	vld.idx.msk [tilespmem:v46+s10+$0x0], $0xffff  }
0xb3: {  	v47 =	vor.u32 v14, v32;
	_ =	sdelay $0x3  }
0xb4: {  	[tilespmem:s19+$0x11480] =	vst v33  }
0xb5: {  	v33 =	vld.idx.msk [tilespmem:v47+s10+$0x0], $0xffff  }
0xb6: {  	v48 =	vor.u32 v15, v32;
	_ =	sdelay $0x3  }
0xb7: {  	[tilespmem:s19+$0x11500] =	vst v33  }
0xb8: {  	v33 =	vld.idx.msk [tilespmem:v48+s10+$0x0], $0xffff  }
0xb9: {  	v49 =	vor.u32 v16, v32;
	_ =	sdelay $0x3  }
0xba: {  	[tilespmem:s19+$0x11580] =	vst v33  }
0xbb: {  	v33 =	vld.idx.msk [tilespmem:v49+s10+$0x0], $0xffff  }
0xbc: {  	v50 =	vor.u32 v17, v32;
	_ =	sdelay $0x3  }
0xbd: {  	[tilespmem:s19+$0x12200] =	vst v33  }
0xbe: {  	v33 =	vld.idx.msk [tilespmem:v50+s10+$0x0], $0xffff  }
0xbf: {  	v51 =	vor.u32 v18, v32;
	_ =	sdelay $0x3  }
0xc0: {  	[tilespmem:s19+$0x12280] =	vst v33  }
0xc1: {  	v33 =	vld.idx.msk [tilespmem:v51+s10+$0x0], $0xffff  }
0xc2: {  	v52 =	vor.u32 v19, v32;
	_ =	sdelay $0x3  }
0xc3: {  	[tilespmem:s19+$0x12300] =	vst v33  }
0xc4: {  	v33 =	vld.idx.msk [tilespmem:v52+s10+$0x0], $0xffff  }
0xc5: {  	v53 =	vor.u32 v20, v32;
	_ =	sdelay $0x3  }
0xc6: {  	[tilespmem:s19+$0x12380] =	vst v33  }
0xc7: {  	v33 =	vld.idx.msk [tilespmem:v53+s10+$0x0], $0xffff  }
0xc8: {  	v54 =	vor.u32 v21, v32;
	_ =	sdelay $0x3  }
0xc9: {  	[tilespmem:s19+$0x12400] =	vst v33  }
0xca: {  	v33 =	vld.idx.msk [tilespmem:v54+s10+$0x0], $0xffff  }
0xcb: {  	v55 =	vor.u32 v22, v32;
	_ =	sdelay $0x3  }
0xcc: {  	[tilespmem:s19+$0x12480] =	vst v33  }
0xcd: {  	v33 =	vld.idx.msk [tilespmem:v55+s10+$0x0], $0xffff  }
0xce: {  	v56 =	vor.u32 v23, v32;
	_ =	sdelay $0x3  }
0xcf: {  	[tilespmem:s19+$0x12500] =	vst v33  }
0xd0: {  	v33 =	vld.idx.msk [tilespmem:v56+s10+$0x0], $0xffff  }
0xd1: {  	v57 =	vor.u32 v24, v32;
	_ =	sdelay $0x3  }
0xd2: {  	[tilespmem:s19+$0x12580] =	vst v33  }
0xd3: {  	v33 =	vld.idx.msk [tilespmem:v57+s10+$0x0], $0xffff  }
0xd4: {  	v58 =	vor.u32 v25, v32;
	_ =	sdelay $0x3  }
0xd5: {  	[tilespmem:s19+$0x13200] =	vst v33  }
0xd6: {  	v33 =	vld.idx.msk [tilespmem:v58+s10+$0x0], $0xffff  }
0xd7: {  	v59 =	vor.u32 v26, v32;
	_ =	sdelay $0x3  }
0xd8: {  	[tilespmem:s19+$0x13280] =	vst v33  }
0xd9: {  	v33 =	vld.idx.msk [tilespmem:v59+s10+$0x0], $0xffff  }
0xda: {  	v60 =	vor.u32 v27, v32;
	_ =	sdelay $0x3  }
0xdb: {  	[tilespmem:s19+$0x13300] =	vst v33  }
0xdc: {  	v33 =	vld.idx.msk [tilespmem:v60+s10+$0x0], $0xffff  }
0xdd: {  	v61 =	vor.u32 v28, v32;
	_ =	sdelay $0x3  }
0xde: {  	[tilespmem:s19+$0x13380] =	vst v33  }
0xdf: {  	v33 =	vld.idx.msk [tilespmem:v61+s10+$0x0], $0xffff  }
0xe0: {  	v62 =	vor.u32 v29, v32;
	_ =	sdelay $0x3  }
0xe1: {  	[tilespmem:s19+$0x13400] =	vst v33  }
0xe2: {  	v33 =	vld.idx.msk [tilespmem:v62+s10+$0x0], $0xffff  }
0xe3: {  	v63 =	vor.u32 v30, v32;
	_ =	sdelay $0x3  }
0xe4: {  	[tilespmem:s19+$0x13480] =	vst v33  }
0xe5: {  	v33 =	vld.idx.msk [tilespmem:v63+s10+$0x0], $0xffff  }
0xe6: {  	v32 =	vor.u32 v31, v32;
	_ =	sdelay $0x3  }
0xe7: {  	[tilespmem:s19+$0x13500] =	vst v33  }
0xe8: {  	p0 =	sne.s32 s18, $0x1F0;
	v32 =	vld.idx.msk [tilespmem:v32+s10+$0x0], $0xffff  }
.Ltmp0:
0xe9: {  	_ = 	snop;
	(pc) =	sbr.rel @p0 .LBB2_2-.Ltmp0, $2  }
0xea: {  	_ =	sdelay $0x2  }
0xeb: {  	s16 =	sadd.s32 $0x10, s16;
	s17 =	sadd.s32 $0x80, s17;
	s18 =	sadd.s32 $0x10, s18;
	[tilespmem:s19+$0x13580] =	vst v32  }
0xec: {  	s15 =	sadd.s32 $0x1, s15  }
0xed: {  	p0 =	sne.s32 s15, s6  }
.Ltmp1:
0xee: {  	_ = 	snop;
	(pc) =	sbr.rel @p0 .LBB2_1-.Ltmp1, $4  }
0xef: {  	[hbm4b:s5+s12] =	stream.strided.scatter [tilespmem:s14], [sflag:$0x2], $0x4000, s13, s12, $0x38;
	[tilespmem:$0x14200] =	vst v63  }
0xf0: {  	_ =	swait.ge [sflag:s7], $0x4000  }
0xf1: {  	[sflag:s7] =	ssyncset.done $0x0  }
0xf2: {  	[sflag:s7] =	ssyncadd.s32 $0xFFFFC000  }
0xf3: {  	_ =	sfence.sel $0x180000  }
0xf4: {  	[bflag:$0x0] =	sbarrier.arrive $0xFFFF  }
0xf5: {  	p0 =	sne.s32 s2, $0x0;
	_ =	strace $0x90000047  }
0xf6: {  	s0 =	sadd.s32 @!p0 $0x100000, s0;
	[bflag:$0x2] =	sbarrier.arrive $0xFFFF  }
0xf7: {  	[sflag:s0] =	ssyncadd.tile.s32 @!p0 $0x1;
	_ =	shalt  }
.Lfunc_end2:
_tile_overlayer_lowered:
.L_overlay_start_2:
0xf8: {  	(tag) =	ssettag $0x2  }
0xf9: {  	s0 =	rddreg [dreg:$0x0];
	s2 =	stileid.u32  }
0xfa: {  	s1 =	rddreg [dreg:$0x1];
	p0 =	sne.s32 s2, $0x0  }
0xfb: {  	s3 =	rddreg [dreg:$0x2];
	[bflag:$0x3] =	sbarrier.arrive $0xFFFF;
	s2 =	simm.s32 @!p0 $0x1C02  }
0xfc: {  	[timem:s3], [sflag:s2] =	dma.local @!p0 [hbm:s0], s1  }
0xfd: {  	s0 =	simm.s32 @!p0 $0x2  }
0xfe: {  	_ =	swait.ge @!p0 [sflag:s0], s1  }
0xff: {  	s1 =	ssub.s32 @!p0 $0x0, s1;
	[sflag:s0] =	ssyncset.done @!p0 $0x0  }
0x100: {  	[sflag:s0] =	ssyncadd.s32 @!p0 s1  }
0x101: {  	[bflag:$0x3] =	sbarrier.arrive $0xFFFF  }
0x102: {  	_ =	shalt  }

</sc_bundles>
